<compile_context>
chip_gen: v7x
topology: tpu7x:2x2x1
jax: 0.10.2.dev20260603
libtpu: 0.0.44.dev20260713+nightly
codegen_flags: <defaults>
</compile_context>

<pallas_src>
import functools

import jax
import jax.numpy as jnp
from jax import lax
from jax.experimental import pallas as pl
from jax.experimental.pallas import tpu as pltpu
from jax.experimental.pallas import tpu_sc as plsc

_NC = 2
_NS = 16
_L = 16
_NW = _NC * _NS


def _make_sc_kernel(B, D, NU, NH):
    bpw = B // _NW
    mesh = plsc.VectorSubcoreMesh(core_axis_name="c", subcore_axis_name="s")

    @functools.partial(
        pl.kernel,
        mesh=mesh,
        compiler_params=pltpu.CompilerParams(
            needs_layout_passes=False, use_tc_tiling_on_sc=False),
        out_type=jax.ShapeDtypeStruct((B,), jnp.float32),
        scratch_types=[
            pltpu.VMEM((bpw,), jnp.int32),
            pltpu.VMEM((bpw,), jnp.int32),
            pltpu.VMEM((bpw, D), jnp.float32),
            pltpu.VMEM((bpw, D), jnp.float32),
            pltpu.VMEM((bpw,), jnp.float32),
            pltpu.VMEM((bpw,), jnp.float32),
            pltpu.VMEM((bpw,), jnp.float32),
            pltpu.VMEM_SHARED((1, NU), jnp.float32),
            pltpu.VMEM_SHARED((1, NH), jnp.float32),
            pltpu.SemaphoreType.DMA,
            pltpu.SemaphoreType.DMA,
        ],
    )
    def k(uid_hbm, hid_hbm, uemb_hbm, hemb_hbm, ubT_hbm, hbT_hbm, out_hbm,
          idx_u, idx_h, urows, hrows, ub_v, hb_v, out_v, ub_sp, hb_sp,
          sem, sem2):
        wid = lax.axis_index("s") * _NC + lax.axis_index("c")
        sid = lax.axis_index("s")
        base = wid * bpw
        pltpu.sync_copy(uid_hbm.at[pl.ds(base, bpw)], idx_u)
        pltpu.sync_copy(hid_hbm.at[pl.ds(base, bpw)], idx_h)
        cu = pltpu.async_copy(uemb_hbm.at[idx_u], urows, sem)
        ch = pltpu.async_copy(hemb_hbm.at[idx_h], hrows, sem)

        @pl.when(sid == 0)
        def _():
            pltpu.sync_copy(ubT_hbm, ub_sp)
            pltpu.sync_copy(hbT_hbm, hb_sp)

        plsc.subcore_barrier()
        cub = pltpu.async_copy(ub_sp.at[0].at[idx_u], ub_v, sem2)
        chb = pltpu.async_copy(hb_sp.at[0].at[idx_h], hb_v, sem2)
        cu.wait()
        ch.wait()
        cub.wait()
        chb.wait()

        lane = lax.iota(jnp.int32, _L)

        def body(g, carry):
            ids = g * _L + lane
            sl = pl.ds(g * _L, _L)
            acc = ub_v[sl] + hb_v[sl]
            for d in range(D):
                dcol = jnp.full((_L,), d, jnp.int32)
                acc = acc + plsc.load_gather(urows, [ids, dcol]) * plsc.load_gather(
                    hrows, [ids, dcol])
            out_v[sl] = acc
            return carry

        lax.fori_loop(0, bpw // _L, body, 0)
        pltpu.sync_copy(out_v, out_hbm.at[pl.ds(base, bpw)])

    return k


def kernel(user_id_input, hotel_id_input, user_embeddings, hotel_embeddings,
           user_biases, hotel_biases):
    B = user_id_input.shape[0]
    D = user_embeddings.shape[1]
    NU = user_biases.shape[0]
    NH = hotel_biases.shape[0]
    k = _make_sc_kernel(B, D, NU, NH)
    return k(user_id_input.astype(jnp.int32), hotel_id_input.astype(jnp.int32),
             user_embeddings, hotel_embeddings,
             user_biases.T, hotel_biases.T)

# --- scband reference (transcript-rebuilt; emitter-appended) ---
"""Pipeline reference for scband-matrix-factorization-model-21414706938144 (READ-ONLY COPY).

The authoritative reference and input builder live on the scoring server;
editing this copy changes nothing except your own understanding.
"""

import jax, jax.numpy as jnp
import numpy as np

NUM_USERS = 1000000
NUM_HOTELS = 100000
EMBED_DIM = 32
BATCH = 16384


def setup_inputs(seed: int = 0) -> dict:
    key = jax.random.key(seed)
    k1, k2, k3, k4, k5, k6 = jax.random.split(key, 6)
    user_id_input = jax.random.randint(k1, (BATCH,), 0, NUM_USERS, dtype=jnp.int64 if jax.config.jax_enable_x64 else jnp.int32)
    hotel_id_input = jax.random.randint(k2, (BATCH,), 0, NUM_HOTELS, dtype=jnp.int64 if jax.config.jax_enable_x64 else jnp.int32)
    user_embeddings = jax.random.normal(k3, (NUM_USERS, EMBED_DIM), dtype=jnp.float32)
    hotel_embeddings = jax.random.normal(k4, (NUM_HOTELS, EMBED_DIM), dtype=jnp.float32)
    user_biases = jax.random.normal(k5, (NUM_USERS, 1), dtype=jnp.float32)
    hotel_biases = jax.random.normal(k6, (NUM_HOTELS, 1), dtype=jnp.float32)
    return {
        "user_id_input": user_id_input,
        "hotel_id_input": hotel_id_input,
        "user_embeddings": user_embeddings,
        "hotel_embeddings": hotel_embeddings,
        "user_biases": user_biases,
        "hotel_biases": hotel_biases,
    }


def reference(user_id_input, hotel_id_input, user_embeddings, hotel_embeddings, user_biases, hotel_biases):
    user_embedding = jnp.take(user_embeddings, user_id_input, axis=0)
    hotel_embedding = jnp.take(hotel_embeddings, hotel_id_input, axis=0)
    user_bias = jnp.take(user_biases, user_id_input, axis=0)
    hotel_bias = jnp.take(hotel_biases, hotel_id_input, axis=0)
    rating_pred = jnp.sum(user_embedding * hotel_embedding, axis=1) + jnp.squeeze(user_bias, axis=-1) + jnp.squeeze(hotel_bias, axis=-1)
    return rating_pred

if __name__ == "__main__":
    import jax
    _d = setup_inputs()
    print(jax.jit(kernel)(*tuple(_d.values())))

</pallas_src>

<mosaic_0001>
#map = affine_map<(d0, d1) -> (0)>
#map1 = affine_map<(d0, d1) -> (0, 0)>
module attributes {stable_mosaic.version = 14 : i64} {
  func.func @k(%arg0: i32, %arg1: i32, %arg2: memref<16384xi32, #tpu.memory_space<hbm>>, %arg3: memref<16384xi32, #tpu.memory_space<hbm>>, %arg4: memref<1000000x32xf32, #tpu.memory_space<hbm>>, %arg5: memref<100000x32xf32, #tpu.memory_space<hbm>>, %arg6: memref<1x1000000xf32, #tpu.memory_space<hbm>>, %arg7: memref<1x100000xf32, #tpu.memory_space<hbm>>, %arg8: memref<16384xf32, #tpu.memory_space<hbm>>, %arg9: memref<512xi32, #tpu.memory_space<vmem>>, %arg10: memref<512xi32, #tpu.memory_space<vmem>>, %arg11: memref<512x32xf32, #tpu.memory_space<vmem>>, %arg12: memref<512x32xf32, #tpu.memory_space<vmem>>, %arg13: memref<512xf32, #tpu.memory_space<vmem>>, %arg14: memref<512xf32, #tpu.memory_space<vmem>>, %arg15: memref<512xf32, #tpu.memory_space<vmem>>, %arg16: memref<1x1000000xf32, #tpu.memory_space<vmem_shared>>, %arg17: memref<1x100000xf32, #tpu.memory_space<vmem_shared>>, %arg18: memref<!tpu.dma_semaphore, #tpu.memory_space<semaphore_mem>>, %arg19: memref<!tpu.dma_semaphore, #tpu.memory_space<semaphore_mem>>) attributes {dimension_semantics = [#tpu.dimension_semantics<core_parallel>, #tpu.dimension_semantics<subcore_parallel>], iteration_bounds = array<i64: 2, 16>, scalar_prefetch = 0 : i64, scratch_operands = 11 : i64, tpu.core_type = #tpu.core_type<sc_vector_subcore>, window_params = [{transform_indices = #map}, {transform_indices = #map}, {transform_indices = #map1}, {transform_indices = #map1}, {transform_indices = #map1}, {transform_indices = #map1}, {transform_indices = #map}]} {
    %mul3A = arith.constant 2 : i32
    %mul3A_0 = arith.muli %arg1, %mul3A : i32
    %add3A = arith.addi %mul3A_0, %arg0 : i32
    %mul3A_1 = arith.constant 512 : i32
    %mul3A_2 = arith.muli %add3A, %mul3A_1 : i32
    "tpu.region"() ({
      %run_scoped3A = tpu.sem_alloc : memref<!tpu.dma_semaphore, #tpu.memory_space<semaphore_mem>>
      %dma_start3A_44 = tpu.memref_slice %arg2[%mul3A_2] : memref<16384xi32, #tpu.memory_space<hbm>> -> memref<512xi32, #tpu.memory_space<hbm>>
      %dma_start3A_45 = tpu.memref_slice %arg2[%mul3A_2] : memref<16384xi32, #tpu.memory_space<hbm>> -> memref<512xi32, #tpu.memory_space<hbm>>
      tpu.enqueue_dma source(%dma_start3A_45 : memref<512xi32, #tpu.memory_space<hbm>>) target(%arg9 : memref<512xi32, #tpu.memory_space<vmem>>) target_semaphore(%run_scoped3A : memref<!tpu.dma_semaphore, #tpu.memory_space<semaphore_mem>>)
      %dma_wait3A_46 = tpu.memref_slice %arg2[%mul3A_2] : memref<16384xi32, #tpu.memory_space<hbm>> -> memref<512xi32, #tpu.memory_space<hbm>>
      %dma_wait3A_47 = tpu.memref_slice %arg2[%mul3A_2] : memref<16384xi32, #tpu.memory_space<hbm>> -> memref<512xi32, #tpu.memory_space<hbm>>
      tpu.wait_dma2 semaphore(%run_scoped3A : memref<!tpu.dma_semaphore, #tpu.memory_space<semaphore_mem>>) src(%dma_wait3A_47 : memref<512xi32, #tpu.memory_space<hbm>>) dst(%arg9 : memref<512xi32, #tpu.memory_space<vmem>>)
      tpu.yield
    }) : () -> ()
    "tpu.region"() ({
      %run_scoped3A = tpu.sem_alloc : memref<!tpu.dma_semaphore, #tpu.memory_space<semaphore_mem>>
      %dma_start3A_44 = tpu.memref_slice %arg3[%mul3A_2] : memref<16384xi32, #tpu.memory_space<hbm>> -> memref<512xi32, #tpu.memory_space<hbm>>
      %dma_start3A_45 = tpu.memref_slice %arg3[%mul3A_2] : memref<16384xi32, #tpu.memory_space<hbm>> -> memref<512xi32, #tpu.memory_space<hbm>>
      tpu.enqueue_dma source(%dma_start3A_45 : memref<512xi32, #tpu.memory_space<hbm>>) target(%arg10 : memref<512xi32, #tpu.memory_space<vmem>>) target_semaphore(%run_scoped3A : memref<!tpu.dma_semaphore, #tpu.memory_space<semaphore_mem>>)
      %dma_wait3A_46 = tpu.memref_slice %arg3[%mul3A_2] : memref<16384xi32, #tpu.memory_space<hbm>> -> memref<512xi32, #tpu.memory_space<hbm>>
      %dma_wait3A_47 = tpu.memref_slice %arg3[%mul3A_2] : memref<16384xi32, #tpu.memory_space<hbm>> -> memref<512xi32, #tpu.memory_space<hbm>>
      tpu.wait_dma2 semaphore(%run_scoped3A : memref<!tpu.dma_semaphore, #tpu.memory_space<semaphore_mem>>) src(%dma_wait3A_47 : memref<512xi32, #tpu.memory_space<hbm>>) dst(%arg10 : memref<512xi32, #tpu.memory_space<vmem>>)
      tpu.yield
    }) : () -> ()
    %dma_start3A = arith.constant 0 : i32
    %dma_start3A_3 = arith.constant 0 : i32
    %dma_start3A_4 = tpu.memref_slice %arg4[%dma_start3A, %dma_start3A_3] : memref<1000000x32xf32, #tpu.memory_space<hbm>> -> memref<1000000x32xf32, #tpu.memory_space<hbm>>
    tpu.enqueue_indirect_dma source(%dma_start3A_4 : memref<1000000x32xf32, #tpu.memory_space<hbm>>) target(%arg11 : memref<512x32xf32, #tpu.memory_space<vmem>>) offsets(%arg9 : memref<512xi32, #tpu.memory_space<vmem>>) semaphore(%arg18 : memref<!tpu.dma_semaphore, #tpu.memory_space<semaphore_mem>>)
    %dma_start3A_5 = arith.constant 0 : i32
    %dma_start3A_6 = arith.constant 0 : i32
    %dma_start3A_7 = tpu.memref_slice %arg5[%dma_start3A_5, %dma_start3A_6] : memref<100000x32xf32, #tpu.memory_space<hbm>> -> memref<100000x32xf32, #tpu.memory_space<hbm>>
    tpu.enqueue_indirect_dma source(%dma_start3A_7 : memref<100000x32xf32, #tpu.memory_space<hbm>>) target(%arg12 : memref<512x32xf32, #tpu.memory_space<vmem>>) offsets(%arg10 : memref<512xi32, #tpu.memory_space<vmem>>) semaphore(%arg18 : memref<!tpu.dma_semaphore, #tpu.memory_space<semaphore_mem>>)
    %eq3A = arith.constant 0 : i32
    %eq3A_8 = arith.cmpi eq, %arg1, %eq3A : i32
    %convert_element_type3A = arith.extui %eq3A_8 : i1 to i32
    %cond3A = arith.constant 0 : i32
    %cond3A_9 = arith.cmpi ne, %convert_element_type3A, %cond3A : i32
    scf.if %cond3A_9 {
      "tpu.region"() ({
        %run_scoped3A = tpu.sem_alloc : memref<!tpu.dma_semaphore, #tpu.memory_space<semaphore_mem>>
        tpu.enqueue_dma source(%arg6 : memref<1x1000000xf32, #tpu.memory_space<hbm>>) target(%arg16 : memref<1x1000000xf32, #tpu.memory_space<vmem_shared>>) target_semaphore(%run_scoped3A : memref<!tpu.dma_semaphore, #tpu.memory_space<semaphore_mem>>)
        tpu.wait_dma2 semaphore(%run_scoped3A : memref<!tpu.dma_semaphore, #tpu.memory_space<semaphore_mem>>) src(%arg6 : memref<1x1000000xf32, #tpu.memory_space<hbm>>) dst(%arg16 : memref<1x1000000xf32, #tpu.memory_space<vmem_shared>>)
        tpu.yield
      }) : () -> ()
      "tpu.region"() ({
        %run_scoped3A = tpu.sem_alloc : memref<!tpu.dma_semaphore, #tpu.memory_space<semaphore_mem>>
        tpu.enqueue_dma source(%arg7 : memref<1x100000xf32, #tpu.memory_space<hbm>>) target(%arg17 : memref<1x100000xf32, #tpu.memory_space<vmem_shared>>) target_semaphore(%run_scoped3A : memref<!tpu.dma_semaphore, #tpu.memory_space<semaphore_mem>>)
        tpu.wait_dma2 semaphore(%run_scoped3A : memref<!tpu.dma_semaphore, #tpu.memory_space<semaphore_mem>>) src(%arg7 : memref<1x100000xf32, #tpu.memory_space<hbm>>) dst(%arg17 : memref<1x100000xf32, #tpu.memory_space<vmem_shared>>)
        tpu.yield
      }) : () -> ()
    } else {
    }
    %barrier3A = arith.constant 0 : index
    tpu.barrier barrier_id(%barrier3A)
    %dma_start3A_10 = arith.constant 0 : i32
    %dma_start3A_11 = arith.constant 0 : i32
    %dma_start3A_12 = tpu.memref_slice %arg16[%dma_start3A_10, %dma_start3A_11] : memref<1x1000000xf32, #tpu.memory_space<vmem_shared>> -> memref<1x1000000xf32, #tpu.memory_space<vmem_shared>>
    %dma_start3A_13 = tpu.memref_squeeze %dma_start3A_12 : memref<1x1000000xf32, #tpu.memory_space<vmem_shared>> -> memref<1000000xf32, #tpu.memory_space<vmem_shared>>
    %dma_start3A_14 = arith.constant 0 : i32
    %dma_start3A_15 = tpu.memref_slice %dma_start3A_13[%dma_start3A_14] : memref<1000000xf32, #tpu.memory_space<vmem_shared>> -> memref<1000000xf32, #tpu.memory_space<vmem_shared>>
    tpu.enqueue_indirect_dma source(%dma_start3A_15 : memref<1000000xf32, #tpu.memory_space<vmem_shared>>) target(%arg13 : memref<512xf32, #tpu.memory_space<vmem>>) offsets(%arg9 : memref<512xi32, #tpu.memory_space<vmem>>) semaphore(%arg19 : memref<!tpu.dma_semaphore, #tpu.memory_space<semaphore_mem>>)
    %dma_start3A_16 = arith.constant 0 : i32
    %dma_start3A_17 = arith.constant 0 : i32
    %dma_start3A_18 = tpu.memref_slice %arg17[%dma_start3A_16, %dma_start3A_17] : memref<1x100000xf32, #tpu.memory_space<vmem_shared>> -> memref<1x100000xf32, #tpu.memory_space<vmem_shared>>
    %dma_start3A_19 = tpu.memref_squeeze %dma_start3A_18 : memref<1x100000xf32, #tpu.memory_space<vmem_shared>> -> memref<100000xf32, #tpu.memory_space<vmem_shared>>
    %dma_start3A_20 = arith.constant 0 : i32
    %dma_start3A_21 = tpu.memref_slice %dma_start3A_19[%dma_start3A_20] : memref<100000xf32, #tpu.memory_space<vmem_shared>> -> memref<100000xf32, #tpu.memory_space<vmem_shared>>
    tpu.enqueue_indirect_dma source(%dma_start3A_21 : memref<100000xf32, #tpu.memory_space<vmem_shared>>) target(%arg14 : memref<512xf32, #tpu.memory_space<vmem>>) offsets(%arg10 : memref<512xi32, #tpu.memory_space<vmem>>) semaphore(%arg19 : memref<!tpu.dma_semaphore, #tpu.memory_space<semaphore_mem>>)
    %dma_wait3A = arith.constant 0 : i32
    %dma_wait3A_22 = arith.constant 0 : i32
    %dma_wait3A_23 = tpu.memref_slice %arg4[%dma_wait3A, %dma_wait3A_22] : memref<1000000x32xf32, #tpu.memory_space<hbm>> -> memref<1000000x32xf32, #tpu.memory_space<hbm>>
    tpu.wait_indirect_dma semaphore(%arg18 : memref<!tpu.dma_semaphore, #tpu.memory_space<semaphore_mem>>) src(%dma_wait3A_23 : memref<1000000x32xf32, #tpu.memory_space<hbm>>) dst(%arg11 : memref<512x32xf32, #tpu.memory_space<vmem>>)
    %dma_wait3A_24 = arith.constant 0 : i32
    %dma_wait3A_25 = arith.constant 0 : i32
    %dma_wait3A_26 = tpu.memref_slice %arg5[%dma_wait3A_24, %dma_wait3A_25] : memref<100000x32xf32, #tpu.memory_space<hbm>> -> memref<100000x32xf32, #tpu.memory_space<hbm>>
    tpu.wait_indirect_dma semaphore(%arg18 : memref<!tpu.dma_semaphore, #tpu.memory_space<semaphore_mem>>) src(%dma_wait3A_26 : memref<100000x32xf32, #tpu.memory_space<hbm>>) dst(%arg12 : memref<512x32xf32, #tpu.memory_space<vmem>>)
    %dma_wait3A_27 = arith.constant 0 : i32
    %dma_wait3A_28 = arith.constant 0 : i32
    %dma_wait3A_29 = tpu.memref_slice %arg16[%dma_wait3A_27, %dma_wait3A_28] : memref<1x1000000xf32, #tpu.memory_space<vmem_shared>> -> memref<1x1000000xf32, #tpu.memory_space<vmem_shared>>
    %dma_wait3A_30 = tpu.memref_squeeze %dma_wait3A_29 : memref<1x1000000xf32, #tpu.memory_space<vmem_shared>> -> memref<1000000xf32, #tpu.memory_space<vmem_shared>>
    %dma_wait3A_31 = arith.constant 0 : i32
    %dma_wait3A_32 = tpu.memref_slice %dma_wait3A_30[%dma_wait3A_31] : memref<1000000xf32, #tpu.memory_space<vmem_shared>> -> memref<1000000xf32, #tpu.memory_space<vmem_shared>>
    tpu.wait_indirect_dma semaphore(%arg19 : memref<!tpu.dma_semaphore, #tpu.memory_space<semaphore_mem>>) src(%dma_wait3A_32 : memref<1000000xf32, #tpu.memory_space<vmem_shared>>) dst(%arg13 : memref<512xf32, #tpu.memory_space<vmem>>)
    %dma_wait3A_33 = arith.constant 0 : i32
    %dma_wait3A_34 = arith.constant 0 : i32
    %dma_wait3A_35 = tpu.memref_slice %arg17[%dma_wait3A_33, %dma_wait3A_34] : memref<1x100000xf32, #tpu.memory_space<vmem_shared>> -> memref<1x100000xf32, #tpu.memory_space<vmem_shared>>
    %dma_wait3A_36 = tpu.memref_squeeze %dma_wait3A_35 : memref<1x100000xf32, #tpu.memory_space<vmem_shared>> -> memref<100000xf32, #tpu.memory_space<vmem_shared>>
    %dma_wait3A_37 = arith.constant 0 : i32
    %dma_wait3A_38 = tpu.memref_slice %dma_wait3A_36[%dma_wait3A_37] : memref<100000xf32, #tpu.memory_space<vmem_shared>> -> memref<100000xf32, #tpu.memory_space<vmem_shared>>
    tpu.wait_indirect_dma semaphore(%arg19 : memref<!tpu.dma_semaphore, #tpu.memory_space<semaphore_mem>>) src(%dma_wait3A_38 : memref<100000xf32, #tpu.memory_space<vmem_shared>>) dst(%arg14 : memref<512xf32, #tpu.memory_space<vmem>>)
    %iota3A = tpu.iota {dimensions = array<i32: 0>} : vector<16xi32>
    %scan3A = arith.constant 0 : i32
    %scan3A_39 = arith.constant 0 : i32
    %scan3A_40 = arith.constant 32 : i32
    %scan3A_41 = arith.addi %scan3A_39, %scan3A_40 : i32
    %scan3A_42 = arith.constant 1 : i32
    scf.for %scan3A_44 = %scan3A_39 to %scan3A_41 step %scan3A_42  : i32 {
      %mul3A_45 = arith.constant 16 : i32
      %mul3A_46 = arith.muli %scan3A_44, %mul3A_45 : i32
      %add3A_47 = vector.broadcast %mul3A_46 : i32 to vector<16xi32>
      %add3A_48 = arith.addi %add3A_47, %iota3A : vector<16xi32>
      %mul3A_49 = arith.constant 16 : i32
      %mul3A_50 = arith.muli %scan3A_44, %mul3A_49 : i32
      %get3A = arith.index_cast %mul3A_50 : i32 to index
      %get3A_51 = tpu.vector_load %arg13[%get3A] {strides = array<i32>} : memref<512xf32, #tpu.memory_space<vmem>>, vector<16xf32>,
      %get3A_52 = arith.index_cast %mul3A_50 : i32 to index
      %get3A_53 = tpu.vector_load %arg14[%get3A_52] {strides = array<i32>} : memref<512xf32, #tpu.memory_space<vmem>>, vector<16xf32>,
      %add3A_54 = arith.addf %get3A_51, %get3A_53 : vector<16xf32>
      %broadcast_in_dim3A = arith.constant 0 : i32
      %broadcast_in_dim3A_55 = vector.broadcast %broadcast_in_dim3A : i32 to vector<16xi32>
      %gather3A = tpu.vector_load_idx %arg11[%add3A_48, %broadcast_in_dim3A_55] : memref<512x32xf32, #tpu.memory_space<vmem>>[vector<16xi32>, vector<16xi32>], vector<16xf32>,
      %gather3A_56 = tpu.vector_load_idx %arg12[%add3A_48, %broadcast_in_dim3A_55] : memref<512x32xf32, #tpu.memory_space<vmem>>[vector<16xi32>, vector<16xi32>], vector<16xf32>,
      %mul3A_57 = arith.mulf %gather3A, %gather3A_56 : vector<16xf32>
      %add3A_58 = arith.addf %add3A_54, %mul3A_57 : vector<16xf32>
      %broadcast_in_dim3A_59 = arith.constant 1 : i32
      %broadcast_in_dim3A_60 = vector.broadcast %broadcast_in_dim3A_59 : i32 to vector<16xi32>
      %gather3A_61 = tpu.vector_load_idx %arg11[%add3A_48, %broadcast_in_dim3A_60] : memref<512x32xf32, #tpu.memory_space<vmem>>[vector<16xi32>, vector<16xi32>], vector<16xf32>,
      %gather3A_62 = tpu.vector_load_idx %arg12[%add3A_48, %broadcast_in_dim3A_60] : memref<512x32xf32, #tpu.memory_space<vmem>>[vector<16xi32>, vector<16xi32>], vector<16xf32>,
      %mul3A_63 = arith.mulf %gather3A_61, %gather3A_62 : vector<16xf32>
      %add3A_64 = arith.addf %add3A_58, %mul3A_63 : vector<16xf32>
      %broadcast_in_dim3A_65 = arith.constant 2 : i32
      %broadcast_in_dim3A_66 = vector.broadcast %broadcast_in_dim3A_65 : i32 to vector<16xi32>
      %gather3A_67 = tpu.vector_load_idx %arg11[%add3A_48, %broadcast_in_dim3A_66] : memref<512x32xf32, #tpu.memory_space<vmem>>[vector<16xi32>, vector<16xi32>], vector<16xf32>,
      %gather3A_68 = tpu.vector_load_idx %arg12[%add3A_48, %broadcast_in_dim3A_66] : memref<512x32xf32, #tpu.memory_space<vmem>>[vector<16xi32>, vector<16xi32>], vector<16xf32>,
      %mul3A_69 = arith.mulf %gather3A_67, %gather3A_68 : vector<16xf32>
      %add3A_70 = arith.addf %add3A_64, %mul3A_69 : vector<16xf32>
      %broadcast_in_dim3A_71 = arith.constant 3 : i32
      %broadcast_in_dim3A_72 = vector.broadcast %broadcast_in_dim3A_71 : i32 to vector<16xi32>
      %gather3A_73 = tpu.vector_load_idx %arg11[%add3A_48, %broadcast_in_dim3A_72] : memref<512x32xf32, #tpu.memory_space<vmem>>[vector<16xi32>, vector<16xi32>], vector<16xf32>,
      %gather3A_74 = tpu.vector_load_idx %arg12[%add3A_48, %broadcast_in_dim3A_72] : memref<512x32xf32, #tpu.memory_space<vmem>>[vector<16xi32>, vector<16xi32>], vector<16xf32>,
      %mul3A_75 = arith.mulf %gather3A_73, %gather3A_74 : vector<16xf32>
      %add3A_76 = arith.addf %add3A_70, %mul3A_75 : vector<16xf32>
      %broadcast_in_dim3A_77 = arith.constant 4 : i32
      %broadcast_in_dim3A_78 = vector.broadcast %broadcast_in_dim3A_77 : i32 to vector<16xi32>
      %gather3A_79 = tpu.vector_load_idx %arg11[%add3A_48, %broadcast_in_dim3A_78] : memref<512x32xf32, #tpu.memory_space<vmem>>[vector<16xi32>, vector<16xi32>], vector<16xf32>,
      %gather3A_80 = tpu.vector_load_idx %arg12[%add3A_48, %broadcast_in_dim3A_78] : memref<512x32xf32, #tpu.memory_space<vmem>>[vector<16xi32>, vector<16xi32>], vector<16xf32>,
      %mul3A_81 = arith.mulf %gather3A_79, %gather3A_80 : vector<16xf32>
      %add3A_82 = arith.addf %add3A_76, %mul3A_81 : vector<16xf32>
      %broadcast_in_dim3A_83 = arith.constant 5 : i32
      %broadcast_in_dim3A_84 = vector.broadcast %broadcast_in_dim3A_83 : i32 to vector<16xi32>
      %gather3A_85 = tpu.vector_load_idx %arg11[%add3A_48, %broadcast_in_dim3A_84] : memref<512x32xf32, #tpu.memory_space<vmem>>[vector<16xi32>, vector<16xi32>], vector<16xf32>,
      %gather3A_86 = tpu.vector_load_idx %arg12[%add3A_48, %broadcast_in_dim3A_84] : memref<512x32xf32, #tpu.memory_space<vmem>>[vector<16xi32>, vector<16xi32>], vector<16xf32>,
      %mul3A_87 = arith.mulf %gather3A_85, %gather3A_86 : vector<16xf32>
      %add3A_88 = arith.addf %add3A_82, %mul3A_87 : vector<16xf32>
      %broadcast_in_dim3A_89 = arith.constant 6 : i32
      %broadcast_in_dim3A_90 = vector.broadcast %broadcast_in_dim3A_89 : i32 to vector<16xi32>
      %gather3A_91 = tpu.vector_load_idx %arg11[%add3A_48, %broadcast_in_dim3A_90] : memref<512x32xf32, #tpu.memory_space<vmem>>[vector<16xi32>, vector<16xi32>], vector<16xf32>,
      %gather3A_92 = tpu.vector_load_idx %arg12[%add3A_48, %broadcast_in_dim3A_90] : memref<512x32xf32, #tpu.memory_space<vmem>>[vector<16xi32>, vector<16xi32>], vector<16xf32>,
      %mul3A_93 = arith.mulf %gather3A_91, %gather3A_92 : vector<16xf32>
      %add3A_94 = arith.addf %add3A_88, %mul3A_93 : vector<16xf32>
      %broadcast_in_dim3A_95 = arith.constant 7 : i32
      %broadcast_in_dim3A_96 = vector.broadcast %broadcast_in_dim3A_95 : i32 to vector<16xi32>
      %gather3A_97 = tpu.vector_load_idx %arg11[%add3A_48, %broadcast_in_dim3A_96] : memref<512x32xf32, #tpu.memory_space<vmem>>[vector<16xi32>, vector<16xi32>], vector<16xf32>,
      %gather3A_98 = tpu.vector_load_idx %arg12[%add3A_48, %broadcast_in_dim3A_96] : memref<512x32xf32, #tpu.memory_space<vmem>>[vector<16xi32>, vector<16xi32>], vector<16xf32>,
      %mul3A_99 = arith.mulf %gather3A_97, %gather3A_98 : vector<16xf32>
      %add3A_100 = arith.addf %add3A_94, %mul3A_99 : vector<16xf32>
      %broadcast_in_dim3A_101 = arith.constant 8 : i32
      %broadcast_in_dim3A_102 = vector.broadcast %broadcast_in_dim3A_101 : i32 to vector<16xi32>
      %gather3A_103 = tpu.vector_load_idx %arg11[%add3A_48, %broadcast_in_dim3A_102] : memref<512x32xf32, #tpu.memory_space<vmem>>[vector<16xi32>, vector<16xi32>], vector<16xf32>,
      %gather3A_104 = tpu.vector_load_idx %arg12[%add3A_48, %broadcast_in_dim3A_102] : memref<512x32xf32, #tpu.memory_space<vmem>>[vector<16xi32>, vector<16xi32>], vector<16xf32>,
      %mul3A_105 = arith.mulf %gather3A_103, %gather3A_104 : vector<16xf32>
      %add3A_106 = arith.addf %add3A_100, %mul3A_105 : vector<16xf32>
      %broadcast_in_dim3A_107 = arith.constant 9 : i32
      %broadcast_in_dim3A_108 = vector.broadcast %broadcast_in_dim3A_107 : i32 to vector<16xi32>
      %gather3A_109 = tpu.vector_load_idx %arg11[%add3A_48, %broadcast_in_dim3A_108] : memref<512x32xf32, #tpu.memory_space<vmem>>[vector<16xi32>, vector<16xi32>], vector<16xf32>,
      %gather3A_110 = tpu.vector_load_idx %arg12[%add3A_48, %broadcast_in_dim3A_108] : memref<512x32xf32, #tpu.memory_space<vmem>>[vector<16xi32>, vector<16xi32>], vector<16xf32>,
      %mul3A_111 = arith.mulf %gather3A_109, %gather3A_110 : vector<16xf32>
      %add3A_112 = arith.addf %add3A_106, %mul3A_111 : vector<16xf32>
      %broadcast_in_dim3A_113 = arith.constant 10 : i32
      %broadcast_in_dim3A_114 = vector.broadcast %broadcast_in_dim3A_113 : i32 to vector<16xi32>
      %gather3A_115 = tpu.vector_load_idx %arg11[%add3A_48, %broadcast_in_dim3A_114] : memref<512x32xf32, #tpu.memory_space<vmem>>[vector<16xi32>, vector<16xi32>], vector<16xf32>,
      %gather3A_116 = tpu.vector_load_idx %arg12[%add3A_48, %broadcast_in_dim3A_114] : memref<512x32xf32, #tpu.memory_space<vmem>>[vector<16xi32>, vector<16xi32>], vector<16xf32>,
      %mul3A_117 = arith.mulf %gather3A_115, %gather3A_116 : vector<16xf32>
      %add3A_118 = arith.addf %add3A_112, %mul3A_117 : vector<16xf32>
      %broadcast_in_dim3A_119 = arith.constant 11 : i32
      %broadcast_in_dim3A_120 = vector.broadcast %broadcast_in_dim3A_119 : i32 to vector<16xi32>
      %gather3A_121 = tpu.vector_load_idx %arg11[%add3A_48, %broadcast_in_dim3A_120] : memref<512x32xf32, #tpu.memory_space<vmem>>[vector<16xi32>, vector<16xi32>], vector<16xf32>,
      %gather3A_122 = tpu.vector_load_idx %arg12[%add3A_48, %broadcast_in_dim3A_120] : memref<512x32xf32, #tpu.memory_space<vmem>>[vector<16xi32>, vector<16xi32>], vector<16xf32>,
      %mul3A_123 = arith.mulf %gather3A_121, %gather3A_122 : vector<16xf32>
      %add3A_124 = arith.addf %add3A_118, %mul3A_123 : vector<16xf32>
      %broadcast_in_dim3A_125 = arith.constant 12 : i32
      %broadcast_in_dim3A_126 = vector.broadcast %broadcast_in_dim3A_125 : i32 to vector<16xi32>
      %gather3A_127 = tpu.vector_load_idx %arg11[%add3A_48, %broadcast_in_dim3A_126] : memref<512x32xf32, #tpu.memory_space<vmem>>[vector<16xi32>, vector<16xi32>], vector<16xf32>,
      %gather3A_128 = tpu.vector_load_idx %arg12[%add3A_48, %broadcast_in_dim3A_126] : memref<512x32xf32, #tpu.memory_space<vmem>>[vector<16xi32>, vector<16xi32>], vector<16xf32>,
      %mul3A_129 = arith.mulf %gather3A_127, %gather3A_128 : vector<16xf32>
      %add3A_130 = arith.addf %add3A_124, %mul3A_129 : vector<16xf32>
      %broadcast_in_dim3A_131 = arith.constant 13 : i32
      %broadcast_in_dim3A_132 = vector.broadcast %broadcast_in_dim3A_131 : i32 to vector<16xi32>
      %gather3A_133 = tpu.vector_load_idx %arg11[%add3A_48, %broadcast_in_dim3A_132] : memref<512x32xf32, #tpu.memory_space<vmem>>[vector<16xi32>, vector<16xi32>], vector<16xf32>,
      %gather3A_134 = tpu.vector_load_idx %arg12[%add3A_48, %broadcast_in_dim3A_132] : memref<512x32xf32, #tpu.memory_space<vmem>>[vector<16xi32>, vector<16xi32>], vector<16xf32>,
      %mul3A_135 = arith.mulf %gather3A_133, %gather3A_134 : vector<16xf32>
      %add3A_136 = arith.addf %add3A_130, %mul3A_135 : vector<16xf32>
      %broadcast_in_dim3A_137 = arith.constant 14 : i32
      %broadcast_in_dim3A_138 = vector.broadcast %broadcast_in_dim3A_137 : i32 to vector<16xi32>
      %gather3A_139 = tpu.vector_load_idx %arg11[%add3A_48, %broadcast_in_dim3A_138] : memref<512x32xf32, #tpu.memory_space<vmem>>[vector<16xi32>, vector<16xi32>], vector<16xf32>,
      %gather3A_140 = tpu.vector_load_idx %arg12[%add3A_48, %broadcast_in_dim3A_138] : memref<512x32xf32, #tpu.memory_space<vmem>>[vector<16xi32>, vector<16xi32>], vector<16xf32>,
      %mul3A_141 = arith.mulf %gather3A_139, %gather3A_140 : vector<16xf32>
      %add3A_142 = arith.addf %add3A_136, %mul3A_141 : vector<16xf32>
      %broadcast_in_dim3A_143 = arith.constant 15 : i32
      %broadcast_in_dim3A_144 = vector.broadcast %broadcast_in_dim3A_143 : i32 to vector<16xi32>
      %gather3A_145 = tpu.vector_load_idx %arg11[%add3A_48, %broadcast_in_dim3A_144] : memref<512x32xf32, #tpu.memory_space<vmem>>[vector<16xi32>, vector<16xi32>], vector<16xf32>,
      %gather3A_146 = tpu.vector_load_idx %arg12[%add3A_48, %broadcast_in_dim3A_144] : memref<512x32xf32, #tpu.memory_space<vmem>>[vector<16xi32>, vector<16xi32>], vector<16xf32>,
      %mul3A_147 = arith.mulf %gather3A_145, %gather3A_146 : vector<16xf32>
      %add3A_148 = arith.addf %add3A_142, %mul3A_147 : vector<16xf32>
      %broadcast_in_dim3A_149 = arith.constant 16 : i32
      %broadcast_in_dim3A_150 = vector.broadcast %broadcast_in_dim3A_149 : i32 to vector<16xi32>
      %gather3A_151 = tpu.vector_load_idx %arg11[%add3A_48, %broadcast_in_dim3A_150] : memref<512x32xf32, #tpu.memory_space<vmem>>[vector<16xi32>, vector<16xi32>], vector<16xf32>,
      %gather3A_152 = tpu.vector_load_idx %arg12[%add3A_48, %broadcast_in_dim3A_150] : memref<512x32xf32, #tpu.memory_space<vmem>>[vector<16xi32>, vector<16xi32>], vector<16xf32>,
      %mul3A_153 = arith.mulf %gather3A_151, %gather3A_152 : vector<16xf32>
      %add3A_154 = arith.addf %add3A_148, %mul3A_153 : vector<16xf32>
      %broadcast_in_dim3A_155 = arith.constant 17 : i32
      %broadcast_in_dim3A_156 = vector.broadcast %broadcast_in_dim3A_155 : i32 to vector<16xi32>
      %gather3A_157 = tpu.vector_load_idx %arg11[%add3A_48, %broadcast_in_dim3A_156] : memref<512x32xf32, #tpu.memory_space<vmem>>[vector<16xi32>, vector<16xi32>], vector<16xf32>,
      %gather3A_158 = tpu.vector_load_idx %arg12[%add3A_48, %broadcast_in_dim3A_156] : memref<512x32xf32, #tpu.memory_space<vmem>>[vector<16xi32>, vector<16xi32>], vector<16xf32>,
      %mul3A_159 = arith.mulf %gather3A_157, %gather3A_158 : vector<16xf32>
      %add3A_160 = arith.addf %add3A_154, %mul3A_159 : vector<16xf32>
      %broadcast_in_dim3A_161 = arith.constant 18 : i32
      %broadcast_in_dim3A_162 = vector.broadcast %broadcast_in_dim3A_161 : i32 to vector<16xi32>
      %gather3A_163 = tpu.vector_load_idx %arg11[%add3A_48, %broadcast_in_dim3A_162] : memref<512x32xf32, #tpu.memory_space<vmem>>[vector<16xi32>, vector<16xi32>], vector<16xf32>,
      %gather3A_164 = tpu.vector_load_idx %arg12[%add3A_48, %broadcast_in_dim3A_162] : memref<512x32xf32, #tpu.memory_space<vmem>>[vector<16xi32>, vector<16xi32>], vector<16xf32>,
      %mul3A_165 = arith.mulf %gather3A_163, %gather3A_164 : vector<16xf32>
      %add3A_166 = arith.addf %add3A_160, %mul3A_165 : vector<16xf32>
      %broadcast_in_dim3A_167 = arith.constant 19 : i32
      %broadcast_in_dim3A_168 = vector.broadcast %broadcast_in_dim3A_167 : i32 to vector<16xi32>
      %gather3A_169 = tpu.vector_load_idx %arg11[%add3A_48, %broadcast_in_dim3A_168] : memref<512x32xf32, #tpu.memory_space<vmem>>[vector<16xi32>, vector<16xi32>], vector<16xf32>,
      %gather3A_170 = tpu.vector_load_idx %arg12[%add3A_48, %broadcast_in_dim3A_168] : memref<512x32xf32, #tpu.memory_space<vmem>>[vector<16xi32>, vector<16xi32>], vector<16xf32>,
      %mul3A_171 = arith.mulf %gather3A_169, %gather3A_170 : vector<16xf32>
      %add3A_172 = arith.addf %add3A_166, %mul3A_171 : vector<16xf32>
      %broadcast_in_dim3A_173 = arith.constant 20 : i32
      %broadcast_in_dim3A_174 = vector.broadcast %broadcast_in_dim3A_173 : i32 to vector<16xi32>
      %gather3A_175 = tpu.vector_load_idx %arg11[%add3A_48, %broadcast_in_dim3A_174] : memref<512x32xf32, #tpu.memory_space<vmem>>[vector<16xi32>, vector<16xi32>], vector<16xf32>,
      %gather3A_176 = tpu.vector_load_idx %arg12[%add3A_48, %broadcast_in_dim3A_174] : memref<512x32xf32, #tpu.memory_space<vmem>>[vector<16xi32>, vector<16xi32>], vector<16xf32>,
      %mul3A_177 = arith.mulf %gather3A_175, %gather3A_176 : vector<16xf32>
      %add3A_178 = arith.addf %add3A_172, %mul3A_177 : vector<16xf32>
      %broadcast_in_dim3A_179 = arith.constant 21 : i32
      %broadcast_in_dim3A_180 = vector.broadcast %broadcast_in_dim3A_179 : i32 to vector<16xi32>
      %gather3A_181 = tpu.vector_load_idx %arg11[%add3A_48, %broadcast_in_dim3A_180] : memref<512x32xf32, #tpu.memory_space<vmem>>[vector<16xi32>, vector<16xi32>], vector<16xf32>,
      %gather3A_182 = tpu.vector_load_idx %arg12[%add3A_48, %broadcast_in_dim3A_180] : memref<512x32xf32, #tpu.memory_space<vmem>>[vector<16xi32>, vector<16xi32>], vector<16xf32>,
      %mul3A_183 = arith.mulf %gather3A_181, %gather3A_182 : vector<16xf32>
      %add3A_184 = arith.addf %add3A_178, %mul3A_183 : vector<16xf32>
      %broadcast_in_dim3A_185 = arith.constant 22 : i32
      %broadcast_in_dim3A_186 = vector.broadcast %broadcast_in_dim3A_185 : i32 to vector<16xi32>
      %gather3A_187 = tpu.vector_load_idx %arg11[%add3A_48, %broadcast_in_dim3A_186] : memref<512x32xf32, #tpu.memory_space<vmem>>[vector<16xi32>, vector<16xi32>], vector<16xf32>,
      %gather3A_188 = tpu.vector_load_idx %arg12[%add3A_48, %broadcast_in_dim3A_186] : memref<512x32xf32, #tpu.memory_space<vmem>>[vector<16xi32>, vector<16xi32>], vector<16xf32>,
      %mul3A_189 = arith.mulf %gather3A_187, %gather3A_188 : vector<16xf32>
      %add3A_190 = arith.addf %add3A_184, %mul3A_189 : vector<16xf32>
      %broadcast_in_dim3A_191 = arith.constant 23 : i32
      %broadcast_in_dim3A_192 = vector.broadcast %broadcast_in_dim3A_191 : i32 to vector<16xi32>
      %gather3A_193 = tpu.vector_load_idx %arg11[%add3A_48, %broadcast_in_dim3A_192] : memref<512x32xf32, #tpu.memory_space<vmem>>[vector<16xi32>, vector<16xi32>], vector<16xf32>,
      %gather3A_194 = tpu.vector_load_idx %arg12[%add3A_48, %broadcast_in_dim3A_192] : memref<512x32xf32, #tpu.memory_space<vmem>>[vector<16xi32>, vector<16xi32>], vector<16xf32>,
      %mul3A_195 = arith.mulf %gather3A_193, %gather3A_194 : vector<16xf32>
      %add3A_196 = arith.addf %add3A_190, %mul3A_195 : vector<16xf32>
      %broadcast_in_dim3A_197 = arith.constant 24 : i32
      %broadcast_in_dim3A_198 = vector.broadcast %broadcast_in_dim3A_197 : i32 to vector<16xi32>
      %gather3A_199 = tpu.vector_load_idx %arg11[%add3A_48, %broadcast_in_dim3A_198] : memref<512x32xf32, #tpu.memory_space<vmem>>[vector<16xi32>, vector<16xi32>], vector<16xf32>,
      %gather3A_200 = tpu.vector_load_idx %arg12[%add3A_48, %broadcast_in_dim3A_198] : memref<512x32xf32, #tpu.memory_space<vmem>>[vector<16xi32>, vector<16xi32>], vector<16xf32>,
      %mul3A_201 = arith.mulf %gather3A_199, %gather3A_200 : vector<16xf32>
      %add3A_202 = arith.addf %add3A_196, %mul3A_201 : vector<16xf32>
      %broadcast_in_dim3A_203 = arith.constant 25 : i32
      %broadcast_in_dim3A_204 = vector.broadcast %broadcast_in_dim3A_203 : i32 to vector<16xi32>
      %gather3A_205 = tpu.vector_load_idx %arg11[%add3A_48, %broadcast_in_dim3A_204] : memref<512x32xf32, #tpu.memory_space<vmem>>[vector<16xi32>, vector<16xi32>], vector<16xf32>,
      %gather3A_206 = tpu.vector_load_idx %arg12[%add3A_48, %broadcast_in_dim3A_204] : memref<512x32xf32, #tpu.memory_space<vmem>>[vector<16xi32>, vector<16xi32>], vector<16xf32>,
      %mul3A_207 = arith.mulf %gather3A_205, %gather3A_206 : vector<16xf32>
      %add3A_208 = arith.addf %add3A_202, %mul3A_207 : vector<16xf32>
      %broadcast_in_dim3A_209 = arith.constant 26 : i32
      %broadcast_in_dim3A_210 = vector.broadcast %broadcast_in_dim3A_209 : i32 to vector<16xi32>
      %gather3A_211 = tpu.vector_load_idx %arg11[%add3A_48, %broadcast_in_dim3A_210] : memref<512x32xf32, #tpu.memory_space<vmem>>[vector<16xi32>, vector<16xi32>], vector<16xf32>,
      %gather3A_212 = tpu.vector_load_idx %arg12[%add3A_48, %broadcast_in_dim3A_210] : memref<512x32xf32, #tpu.memory_space<vmem>>[vector<16xi32>, vector<16xi32>], vector<16xf32>,
      %mul3A_213 = arith.mulf %gather3A_211, %gather3A_212 : vector<16xf32>
      %add3A_214 = arith.addf %add3A_208, %mul3A_213 : vector<16xf32>
      %broadcast_in_dim3A_215 = arith.constant 27 : i32
      %broadcast_in_dim3A_216 = vector.broadcast %broadcast_in_dim3A_215 : i32 to vector<16xi32>
      %gather3A_217 = tpu.vector_load_idx %arg11[%add3A_48, %broadcast_in_dim3A_216] : memref<512x32xf32, #tpu.memory_space<vmem>>[vector<16xi32>, vector<16xi32>], vector<16xf32>,
      %gather3A_218 = tpu.vector_load_idx %arg12[%add3A_48, %broadcast_in_dim3A_216] : memref<512x32xf32, #tpu.memory_space<vmem>>[vector<16xi32>, vector<16xi32>], vector<16xf32>,
      %mul3A_219 = arith.mulf %gather3A_217, %gather3A_218 : vector<16xf32>
      %add3A_220 = arith.addf %add3A_214, %mul3A_219 : vector<16xf32>
      %broadcast_in_dim3A_221 = arith.constant 28 : i32
      %broadcast_in_dim3A_222 = vector.broadcast %broadcast_in_dim3A_221 : i32 to vector<16xi32>
      %gather3A_223 = tpu.vector_load_idx %arg11[%add3A_48, %broadcast_in_dim3A_222] : memref<512x32xf32, #tpu.memory_space<vmem>>[vector<16xi32>, vector<16xi32>], vector<16xf32>,
      %gather3A_224 = tpu.vector_load_idx %arg12[%add3A_48, %broadcast_in_dim3A_222] : memref<512x32xf32, #tpu.memory_space<vmem>>[vector<16xi32>, vector<16xi32>], vector<16xf32>,
      %mul3A_225 = arith.mulf %gather3A_223, %gather3A_224 : vector<16xf32>
      %add3A_226 = arith.addf %add3A_220, %mul3A_225 : vector<16xf32>
      %broadcast_in_dim3A_227 = arith.constant 29 : i32
      %broadcast_in_dim3A_228 = vector.broadcast %broadcast_in_dim3A_227 : i32 to vector<16xi32>
      %gather3A_229 = tpu.vector_load_idx %arg11[%add3A_48, %broadcast_in_dim3A_228] : memref<512x32xf32, #tpu.memory_space<vmem>>[vector<16xi32>, vector<16xi32>], vector<16xf32>,
      %gather3A_230 = tpu.vector_load_idx %arg12[%add3A_48, %broadcast_in_dim3A_228] : memref<512x32xf32, #tpu.memory_space<vmem>>[vector<16xi32>, vector<16xi32>], vector<16xf32>,
      %mul3A_231 = arith.mulf %gather3A_229, %gather3A_230 : vector<16xf32>
      %add3A_232 = arith.addf %add3A_226, %mul3A_231 : vector<16xf32>
      %broadcast_in_dim3A_233 = arith.constant 30 : i32
      %broadcast_in_dim3A_234 = vector.broadcast %broadcast_in_dim3A_233 : i32 to vector<16xi32>
      %gather3A_235 = tpu.vector_load_idx %arg11[%add3A_48, %broadcast_in_dim3A_234] : memref<512x32xf32, #tpu.memory_space<vmem>>[vector<16xi32>, vector<16xi32>], vector<16xf32>,
      %gather3A_236 = tpu.vector_load_idx %arg12[%add3A_48, %broadcast_in_dim3A_234] : memref<512x32xf32, #tpu.memory_space<vmem>>[vector<16xi32>, vector<16xi32>], vector<16xf32>,
      %mul3A_237 = arith.mulf %gather3A_235, %gather3A_236 : vector<16xf32>
      %add3A_238 = arith.addf %add3A_232, %mul3A_237 : vector<16xf32>
      %broadcast_in_dim3A_239 = arith.constant 31 : i32
      %broadcast_in_dim3A_240 = vector.broadcast %broadcast_in_dim3A_239 : i32 to vector<16xi32>
      %gather3A_241 = tpu.vector_load_idx %arg11[%add3A_48, %broadcast_in_dim3A_240] : memref<512x32xf32, #tpu.memory_space<vmem>>[vector<16xi32>, vector<16xi32>], vector<16xf32>,
      %gather3A_242 = tpu.vector_load_idx %arg12[%add3A_48, %broadcast_in_dim3A_240] : memref<512x32xf32, #tpu.memory_space<vmem>>[vector<16xi32>, vector<16xi32>], vector<16xf32>,
      %mul3A_243 = arith.mulf %gather3A_241, %gather3A_242 : vector<16xf32>
      %add3A_244 = arith.addf %add3A_238, %mul3A_243 : vector<16xf32>
      %swap3A = arith.index_cast %mul3A_50 : i32 to index
      %swap3A_245 = tpu.vector_load %arg15[%swap3A] {strides = array<i32>} : memref<512xf32, #tpu.memory_space<vmem>>, vector<16xf32>,
      tpu.vector_store %arg15[%swap3A], %add3A_244 {strides = array<i32>} : memref<512xf32, #tpu.memory_space<vmem>>, vector<16xf32>,
    }
    %scan3A_43 = arith.constant 32 : i32
    "tpu.region"() ({
      %run_scoped3A = tpu.sem_alloc : memref<!tpu.dma_semaphore, #tpu.memory_space<semaphore_mem>>
      %dma_start3A_44 = tpu.memref_slice %arg8[%mul3A_2] : memref<16384xf32, #tpu.memory_space<hbm>> -> memref<512xf32, #tpu.memory_space<hbm>>
      %dma_start3A_45 = tpu.memref_slice %arg8[%mul3A_2] : memref<16384xf32, #tpu.memory_space<hbm>> -> memref<512xf32, #tpu.memory_space<hbm>>
      tpu.enqueue_dma source(%arg15 : memref<512xf32, #tpu.memory_space<vmem>>) target(%dma_start3A_45 : memref<512xf32, #tpu.memory_space<hbm>>) target_semaphore(%run_scoped3A : memref<!tpu.dma_semaphore, #tpu.memory_space<semaphore_mem>>)
      %dma_wait3A_46 = tpu.memref_slice %arg8[%mul3A_2] : memref<16384xf32, #tpu.memory_space<hbm>> -> memref<512xf32, #tpu.memory_space<hbm>>
      %dma_wait3A_47 = tpu.memref_slice %arg8[%mul3A_2] : memref<16384xf32, #tpu.memory_space<hbm>> -> memref<512xf32, #tpu.memory_space<hbm>>
      tpu.wait_dma2 semaphore(%run_scoped3A : memref<!tpu.dma_semaphore, #tpu.memory_space<semaphore_mem>>) src(%arg15 : memref<512xf32, #tpu.memory_space<vmem>>) dst(%dma_wait3A_47 : memref<512xf32, #tpu.memory_space<hbm>>)
      tpu.yield
    }) : () -> ()
    return
  }
}

</mosaic_0001>

<sc_bundles>
// kernel: kernel.3.cloned.1.call-start
scs
__scs_entry_jumppad:
0x0: {  	(pc) =	sbr.rel $0x88, $3  }
0x1: {  	(tag) =	ssettag $0x0;
	lr =	simm.s32 $0x1  }
0x2: {  	[smem:$0x3F9B] =	sst lr;
	_ =	strace $0xD0000000  }
0x3: {  	_ = 	snop  }
0x4: {  	_ = 	snop  }
0x5: {  	_ = 	snop  }
0x6: {  	_ = 	snop  }
0x7: {  	_ = 	snop  }
__scs_overlays_trampoline_lowered:
0x8: {  	[smem:$0x3FAA] =	sst s0  }
0x9: {  	[smem:$0x3FAB] =	sst s1  }
0xa: {  	[smem:$0x3FAC] =	sst s2  }
0xb: {  	[smem:$0x3FAD] =	sst s3  }
0xc: {  	[smem:$0x3FAE] =	sst s4  }
0xd: {  	[smem:$0x3FAF] =	sst s5  }
0xe: {  	[smem:$0x3FB0] =	sst s6  }
0xf: {  	[smem:$0x3FB1] =	sst s7  }
0x10: {  	[smem:$0x3FB2] =	sst s8  }
0x11: {  	[smem:$0x3FB3] =	sst s9;
	s0 =	simm.s32 @!p0 $0x0  }
0x12: {  	s1 =	sld [smem:$0x3F99];
	s0 =	simm.s32 @p0 $0x1  }
0x13: {  	[smem:$0x3FB4] =	sst s0;
	s0 =	simm.s32 @!p1 $0x0  }
0x14: {  	s2 =	sld [smem:$0x3F98];
	s0 =	simm.s32 @p1 $0x1  }
0x15: {  	[smem:$0x3FB5] =	sst s0;
	s0 =	simm.s32 @!p2 $0x0  }
0x16: {  	s3 =	sld [smem:$0x3FDB];
	s0 =	simm.s32 @p2 $0x1  }
0x17: {  	s4 =	simm.s32 $0x1BF5;
	[smem:$0x3FB7] =	sst s0  }
0x18: {  	s0 =	sld [smem:$0x3F9A];
	_ =	swait.ge [sflag:s4], $0x0  }
0x19: {  	s7 =	sld [smem:$0x3F9B]  }
0x1a: {  	s8 =	sadd.s32 $0xFFFFE003, lr  }
0x1b: {  	s9 =	sadd.s32 $0xFFFFFEF7, lr;
	s5 =	simm.s32 $0xFFFFFFFF;
	p2 =	slt.u32 s8, $0xFFFFF086  }
0x1c: {  	p1 =	slt.u32 s9, $0xF7A;
	s5 =	simm.s32 @!p2 $0x0  }
0x1d: {  	s5 =	simm.s32 @p1 $0x1;
	p0 =	seq.s32 s7, s2  }
0x1e: {  	s7 =	smul.u32 @!p0 $0xF7A, s2;
	p2 =	seq.s32 @!p0 s5, $0x0  }
0x1f: {  	s9 =	smul.u32 $0xF7A, s1;
	s8 =	simm.s32 @!p0 $0x1BF5;
	p2 =	por !p2, p0  }
0x20: {  	[sflag:s8] =	ssyncset.s32 @!p0 $0xFFFFF086;
	s6 =	sadd.s32 @!p0 s3, s7;
	s7 =	simm.s32 @!p0 $0x108  }
0x21: {  	s3 =	sadd.s32 s3, s9;
	s6 =	sadd.s32 @!p0 $0x88, s6;
	s7 =	simm.s32 @p2 $0x1082  }
0x22: {  	[simem:s7], [sflag:s8] =	dma.local @!p0 [hbm:s6], $0xF7A  }
0x23: {  	s9 =	sor.u32 $0xD0000000, s2;
	s6 =	simm.s32 $0x108;
	_ =	swait.ge @!p0 [sflag:s8], $0x0  }
0x24: {  	s3 =	sadd.s32 $0x88, s3;
	s6 =	simm.s32 @!p1 $0x1082;
	[sflag:s4] =	ssyncset.s32 $0xFFFFF086  }
0x25: {  	[simem:s6], [sflag:s4] =	dma.local [hbm:s3], $0xF7A  }
0x26: {  	[smem:$0x3F9B] =	sst s1;
	(tag) =	ssettag s2;
	_ =	strace s9  }
0x27: {  	s1 =	sld [smem:$0x3FAB]  }
0x28: {  	s2 =	sld [smem:$0x3FAC]  }
0x29: {  	s4 =	sld [smem:$0x3FAE]  }
0x2a: {  	p0 =	seq.s32 s5, $0x0;
	s5 =	sld [smem:$0x3FAF]  }
0x2b: {  	s6 =	sld [smem:$0x3FB0]  }
0x2c: {  	s7 =	sld [smem:$0x3FB1]  }
0x2d: {  	s3 =	simm.s32 $0x108;
	s8 =	sld [smem:$0x3FB2]  }
0x2e: {  	s3 =	simm.s32 @!p0 $0x1082;
	s9 =	sld [smem:$0x3FB3]  }
0x2f: {  	lr =	sadd.s32 s0, s3;
	s0 =	sld [smem:$0x3FAA]  }
0x30: {  	s3 =	sld [smem:$0x3FAD]  }
0x31: {  	[smem:$0x3FB6] =	sst s10  }
0x32: {  	s10 =	sld [smem:$0x3FB4];
	_ =	sdelay $0x3  }
0x33: {  	p0 =	seq.s32 s10, $0x1;
	s10 =	sld [smem:$0x3FB6];
	_ =	sdelay $0x3  }
0x34: {  	[smem:$0x3FB6] =	sst s10  }
0x35: {  	s10 =	sld [smem:$0x3FB5];
	_ =	sdelay $0x3  }
0x36: {  	p1 =	seq.s32 s10, $0x1;
	s10 =	sld [smem:$0x3FB6];
	_ =	sdelay $0x3  }
0x37: {  	[smem:$0x3FB6] =	sst s10  }
0x38: {  	s10 =	sld [smem:$0x3FB7]  }
0x39: {  	_ = 	snop;
	(pc) =	sbr.ind lr, $3  }
0x3a: {  	_ = 	snop  }
0x3b: {  	_ = 	snop  }
0x3c: {  	p2 =	seq.s32 s10, $0x1;
	s10 =	sld [smem:$0x3FB6]  }
0x3d: {  	_ =	shalt  }
0x3e: {  	_ =	shalt  }
0x3f: {  	_ =	shalt  }
0x40: {  	_ =	shalt  }
0x41: {  	_ =	shalt  }
0x42: {  	_ =	shalt  }
0x43: {  	_ =	shalt  }
0x44: {  	_ =	shalt  }
0x45: {  	_ =	shalt  }
0x46: {  	_ =	shalt  }
0x47: {  	_ =	shalt  }
0x48: {  	_ =	shalt  }
0x49: {  	_ =	shalt  }
0x4a: {  	_ =	shalt  }
0x4b: {  	_ =	shalt  }
0x4c: {  	_ =	shalt  }
0x4d: {  	_ =	shalt  }
0x4e: {  	_ =	shalt  }
0x4f: {  	_ =	shalt  }
0x50: {  	_ =	shalt  }
0x51: {  	_ =	shalt  }
0x52: {  	_ =	shalt  }
0x53: {  	_ =	shalt  }
0x54: {  	_ =	shalt  }
0x55: {  	_ =	shalt  }
0x56: {  	_ =	shalt  }
0x57: {  	_ =	shalt  }
0x58: {  	_ =	shalt  }
0x59: {  	_ =	shalt  }
0x5a: {  	_ =	shalt  }
0x5b: {  	_ =	shalt  }
0x5c: {  	_ =	shalt  }
0x5d: {  	_ =	shalt  }
0x5e: {  	_ =	shalt  }
0x5f: {  	_ =	shalt  }
0x60: {  	_ =	shalt  }
0x61: {  	_ =	shalt  }
0x62: {  	_ =	shalt  }
0x63: {  	_ =	shalt  }
0x64: {  	_ =	shalt  }
0x65: {  	_ =	shalt  }
0x66: {  	_ =	shalt  }
0x67: {  	_ =	shalt  }
0x68: {  	_ =	shalt  }
0x69: {  	_ =	shalt  }
0x6a: {  	_ =	shalt  }
0x6b: {  	_ =	shalt  }
0x6c: {  	_ =	shalt  }
0x6d: {  	_ =	shalt  }
0x6e: {  	_ =	shalt  }
0x6f: {  	_ =	shalt  }
0x70: {  	_ =	shalt  }
0x71: {  	_ =	shalt  }
0x72: {  	_ =	shalt  }
0x73: {  	_ =	shalt  }
0x74: {  	_ =	shalt  }
0x75: {  	_ =	shalt  }
0x76: {  	_ =	shalt  }
0x77: {  	_ =	shalt  }
0x78: {  	_ =	shalt  }
0x79: {  	_ =	shalt  }
0x7a: {  	_ =	shalt  }
0x7b: {  	_ =	shalt  }
0x7c: {  	_ =	shalt  }
0x7d: {  	_ =	shalt  }
0x7e: {  	_ =	shalt  }
0x7f: {  	_ =	shalt  }
0x80: {  	_ =	shalt  }
0x81: {  	_ =	shalt  }
0x82: {  	_ =	shalt  }
0x83: {  	_ =	shalt  }
0x84: {  	_ =	shalt  }
0x85: {  	_ =	shalt  }
0x86: {  	_ =	shalt  }
0x87: {  	_ =	shalt  }
.Lfunc_end0:
.L_simem_size_0:
called_computation_lowered:
.L_overlay_start_0:
0x88: {  	s2 =	sld [smem:$0x3FD9]  }
0x89: {  	s3 =	sld [smem:$0x3FFE];
	_ =	sdelay $0x1  }
0x8a: {  	s1 =	srdreg.scid  }
0x8b: {  	s0 =	sand.u32 $0x1, s1  }
0x8c: {  	s17 =	sshll.u32 s0, $0xA;
	s2 =	sadd.s32 s3, s2  }
0x8d: {  	s2 =	sadd.s32 s2, s17  }
0x8e: {  	[smem:$0x3FC2] =	sst s2  }
0x8f: {  	_ = 	snop  }
0x90: {  	s2 =	sld [smem:$0x3FC9]  }
0x91: {  	s18 =	sld [smem:$0x3FC8]  }
0x92: {  	s4 =	sld [smem:$0x3FD0];
	(tm) =	ssettm $0x1  }
0x93: {  	s5 =	sld [smem:$0x3FFB];
	_ =	sdelay $0x3  }
0x94: {  	_ =	strace s5  }
0x95: {  	s5 =	sld [smem:$0x3FFC];
	_ =	sdelay $0x3  }
0x96: {  	_ =	strace s5  }
0x97: {  	s5 =	sld [smem:$0x3FFD];
	_ =	sdelay $0x3  }
0x98: {  	_ =	strace s5  }
0x99: {  	_ =	strace $0x8FFFFFFF  }
0x9a: {  	s19 =	sld [smem:$0x3FDB];
	_ =	sdelay $0x1  }
0x9b: {  	s6 =	simm.s32 $_scs_section_size  }
0x9c: {  	s7 =	simm.s32 $_size__tile_overlayer_lowered;
	s8 =	simm.s32 $_tile_overlayer_lowered  }
0x9d: {  	s22 =	simm.s32 $0x1BFF;
	s21 =	sshll.u32 s8, $0x1;
	s5 =	sadd.s32 s6, s19  }
0x9e: {  	s9 =	simm.s32 $0x0;
	s20 =	sshll.u32 s7, $0x1;
	s7 =	sadd.s32 s21, s5  }
0x9f: {  	[timem:s9], [sflag:s22] =	dma.local [hbm:s7], s20  }
0xa0: {  	_ =	swait.ge [sflag:s22], s20  }
0xa1: {  	s6 =	ssub.s32 $0x0, s20;
	[sflag:s22] =	ssyncset.done $0x0  }
0xa2: {  	[sflag:s22] =	ssyncadd.s32 s6;
	_ =	sdelay $0x1  }
0xa3: {  	s23 =	simm.s32 $0x1B8B  }
0xa4: {  	_ =	swait.ge [sflag:s23], $0x1  }
0xa5: {  	[sflag:s23] =	ssyncset.done $0x0  }
0xa6: {  	s25 =	simm.s32 $0x1B8E;
	s24 =	sld [smem:$0x3FFE];
	[sflag:s23] =	ssyncadd.s32 $0xFFFFFFFF  }
0xa7: {  	s26 =	simm.s32 $execute0_lowered;
	[smem:$0x3FD2] =	sst s25  }
0xa8: {  	s7 =	sshll.u32 s26, $0x1;
	_ =	strace $0x80000046;
	[dreg:$0x1] =	wrdreg $0xFFFFFFFF  }
0xa9: {  	s28 =	simm.s32 $_size_execute0_lowered;
	s5 =	sadd.s32 s5, s7;
	[dreg:$0x0] =	wrdreg $0x0  }
0xaa: {  	s7 =	sshll.u32 s28, $0x1;
	[dreg:$0x2] =	wrdreg s5  }
0xab: {  	[dreg:$0x3] =	wrdreg s7  }
0xac: {  	[dreg:$0x4] =	wrdreg $0xC0  }
0xad: {  	_ =	task [dreg:s9], $0x5FFFF  }
0xae: {  	[dreg:$0x1] =	wrdreg $0xFFFFFFFF  }
0xaf: {  	[dreg:$0x0] =	wrdreg $0x60  }
0xb0: {  	[dreg:$0x2] =	wrdreg s2  }
0xb1: {  	[dreg:$0x3] =	wrdreg s18  }
0xb2: {  	[dreg:$0x4] =	wrdreg s24  }
0xb3: {  	[dreg:$0x5] =	wrdreg s4  }
0xb4: {  	[dreg:$0x6] =	wrdreg $0x8A000  }
0xb5: {  	[dreg:$0x7] =	wrdreg $0x17E280  }
0xb6: {  	[dreg:$0x8] =	wrdreg $0x9  }
0xb7: {  	_ =	task.clear_ibuf [dreg:s9], $0x9FFFF;
	_ =	strace $0x90000046  }
0xb8: {  	s29 =	simm.s32 $0x9;
	_ =	strace $0x80000048  }
0xb9: {  	_ =	swait.ge [sflag:s29], $0x1  }
0xba: {  	[sflag:s29] =	ssyncadd.s32 $0xFFFFFFFF  }
0xbb: {  	_ =	strace $0x90000048  }
0xbc: {  	_ =	sfence  }
0xbd: {  	s30 =	sld [smem:$0x0];
	_ =	sdelay $0x2  }
0xbe: {  	s31 =	sshll.u32 s1, $0xD;
	s1 =	sshrl.u32 s1, $0x2  }
0xbf: {  	s3 =	sand.u32 $0x4000, s31;
	s1 =	sadd.s32 s1, s30  }
0xc0: {  	s0 =	sor.u32 s3, s0;
	s1 =	sshll.u32 s1, $0x11  }
0xc1: {  	s0 =	sor.u32 s1, s0  }
0xc2: {  	s0 =	sadd.s32 $0x8F2B, s0  }
0xc3: {  	[sflag:s0] =	ssyncadd.remote.s32 $0x1  }
0xc4: {  	_ =	sfence.sel $0xFFFF  }
0xc5: {  	[dreg:$0x0] =	wrdreg $0xFFFFFFFF;
	(pc) =	sbr.abs _section_cstart, $3  }
0xc6: {  	[dreg:$0x1] =	wrdreg $0xFFFFFFFF  }
0xc7: {  	_ =	task.clear_ibuf [dreg:s9], $0x2FFFF;
	_ =	strace $0x9FFFFFFF  }
0xc8: {  	(tm) =	ssettm $0x7FFFFFFF  }
0xc9: {  	_ =	shalt  }
tec
execute0_lowered:
.L_overlay_start_1:
0x0: {  	(tag) =	ssettag $0x1  }
0x1: {  	s8 =	rddreg [dreg:$0x0]  }
0x2: {  	s9 =	rddreg [dreg:$0x1]  }
0x3: {  	s1 =	rddreg [dreg:$0x2]  }
0x4: {  	s10 =	rddreg [dreg:$0x3]  }
0x5: {  	s2 =	rddreg [dreg:$0x4]  }
0x6: {  	s3 =	rddreg [dreg:$0x5]  }
0x7: {  	s0 =	rddreg [dreg:$0x6]  }
0x8: {  	s4 =	simm.s32 $0x0;
	s6 =	srdreg.scid;
	s12 =	stileid.u32  }
0x9: {  	s18 =	simm.s32 $0x1;
	s19 =	simm.s32 $0x2;
	s20 =	simm.s32 $0x8800  }
0xa: {  	s21 =	simm.s32 $0x0;
	[smem:$0x7FF] =	sst s4;
	s5 =	sadd.s32 $0xF42400, s1  }
0xb: {  	s7 =	sand.u32 $0x1, s6;
	s6 =	sadd.s32 $0x186A00, s1;
	s14 =	sshll.u32 s12, $0x7  }
0xc: {  	p0 =	sne.s32 s12, $0x0;
	s12 =	simm.s32 $0x3;
	_ =	strace $0x80000047  }
0xd: {  	s11 =	ssub.s32 $0x2, s7;
	s15 =	sshll.u32 s7, $0x6;
	s7 =	sadd.s32 $0x1EA00, s1  }
0xe: {  	s16 =	sshrl.u32 @!p0 s2, $0x3;
	s17 =	sshrl.u32 @!p0 s3, $0x3;
	s13 =	sshrl.u32 s11, $0x1  }
0xf: {  	s31 =	sor.u32 s15, s14;
	s14 =	simm.s32 $0x400;
	s15 =	simm.s32 $0x4400  }
0x10: {  	v0 =	vlaneseq.u32;
	s11 =	ssub.s32 s11, s13;
	s8 =	sadd.s32 s8, s31;
	s9 =	sadd.s32 s9, s31  }
0x11: {  	v0 =	vmul.u32 $0x20, v0;
	s10 =	sadd.s32 s10, s31;
	s13 =	simm.s32 $0x200;
	s11 =	smax.u32 s11, $0x1  }
.LBB2_1:
0x12: {  	[tilespmem:s4], [sflag:$0x3] =	stream.linear.gather [hbm4b:s8+s4], $0x200, $0x38;
	[tilespmem:$0x19698] =	vst v63  }
0x13: {  	_ =	swait.ge [sflag:s12], $0x200  }
0x14: {  	[sflag:s12] =	ssyncset.done $0x0  }
0x15: {  	[sflag:s12] =	ssyncadd.s32 $0xFFFFFE00  }
0x16: {  	[tilespmem:s13], [sflag:$0x3] =	stream.linear.gather [hbm4b:s9+s4], $0x200, $0x38;
	[tilespmem:$0x19698] =	vst v63  }
0x17: {  	_ =	swait.ge [sflag:s12], $0x200  }
0x18: {  	[sflag:s12] =	ssyncset.done $0x0  }
0x19: {  	[sflag:s12] =	ssyncadd.s32 $0xFFFFFE00  }
0x1a: {  	[tilespmem:s14], [sflag:$0x1] =	stream.indirect.gather [hbm4b:s5+s13], $0x20, s4, s13, $0xb8;
	[tilespmem:$0x19698] =	vst v63  }
0x1b: {  	s22 =	simm.s32 @!p0 $0x1C03;
	s23 =	simm.s32 @!p0 $0x3  }
0x1c: {  	[tilespmem:s15], [sflag:$0x1] =	stream.indirect.gather [hbm4b:s6+s13], $0x20, s13, s13, $0xb8;
	[tilespmem:$0x19698] =	vst v63  }
0x1d: {  	[spmem:s16], [sflag:s22] =	dma.local @!p0 [hbm:s1], $0x1E848  }
0x1e: {  	_ =	swait.ge @!p0 [sflag:s23], $0x1E848  }
0x1f: {  	[sflag:s23] =	ssyncset.done @!p0 $0x0  }
0x20: {  	[sflag:s23] =	ssyncadd.s32 @!p0 $0xFFFE17B8  }
0x21: {  	[spmem:s17], [sflag:s22] =	dma.local @!p0 [hbm:s7], $0x30D4  }
0x22: {  	_ =	swait.ge @!p0 [sflag:s23], $0x30D4  }
0x23: {  	[sflag:s23] =	ssyncset.done @!p0 $0x0  }
0x24: {  	[sflag:s23] =	ssyncadd.s32 @!p0 $0xFFFFCF2C  }
0x25: {  	s29 =	simm.s32 $0x8400;
	[bflag:$0x0] =	sbarrier.arrive $0xFFFF  }
0x26: {  	[tilespmem:s29], [sflag:$0x2] =	stream.indirect.gather [spmem:s2], $0x1, s4, s13, $0xb8;
	[tilespmem:$0x19698] =	vst v63  }
0x27: {  	s30 =	simm.s32 $0x8600  }
0x28: {  	[tilespmem:s30], [sflag:$0x2] =	stream.indirect.gather [spmem:s3], $0x1, s13, s13, $0xb8;
	[tilespmem:$0x19698] =	vst v63  }
0x29: {  	_ =	swait.ge [sflag:s18], $0x4000  }
0x2a: {  	[sflag:s18] =	ssyncset.done $0x0  }
0x2b: {  	[sflag:s18] =	ssyncadd.s32 $0xFFFFC000  }
0x2c: {  	_ =	swait.ge [sflag:s18], $0x4000  }
0x2d: {  	[sflag:s18] =	ssyncset.done $0x0  }
0x2e: {  	[sflag:s18] =	ssyncadd.s32 $0xFFFFC000  }
0x2f: {  	v1 =	vmov s4;
	_ =	swait.ge [sflag:s19], $0x200  }
0x30: {  	v1 =	vshll.u32 v1, $0x5;
	[sflag:s19] =	ssyncset.done $0x0  }
0x31: {  	v1 =	vor.u32 v0, v1;
	[sflag:s19] =	ssyncadd.s32 $0xFFFFFE00  }
0x32: {  	_ =	swait.ge [sflag:s19], $0x200  }
0x33: {  	[sflag:s19] =	ssyncset.done $0x0  }
0x34: {  	v2 =	vor.u32 $0x1, v1;
	[sflag:s19] =	ssyncadd.s32 $0xFFFFFE00  }
0x35: {  	v3 =	vld [tilespmem:s30+$0x0]  }
0x36: {  	v4 =	vor.u32 $0x2, v1;
	v5 =	vld.idx.msk [tilespmem:v1+s14+$0x0], $0xffff  }
0x37: {  	v6 =	vld.idx.msk [tilespmem:v1+s15+$0x0], $0xffff  }
0x38: {  	v7 =	vor.u32 $0x3, v1;
	v8 =	vld [tilespmem:s29+$0x0]  }
0x39: {  	v9 =	vld.idx.msk [tilespmem:v2+s14+$0x0], $0xffff  }
0x3a: {  	v10 =	vor.u32 $0x4, v1;
	v2 =	vld.idx.msk [tilespmem:v2+s15+$0x0], $0xffff  }
0x3b: {  	v11 =	vld.idx.msk [tilespmem:v4+s14+$0x0], $0xffff  }
0x3c: {  	v12 =	vor.u32 $0x5, v1;
	v4 =	vld.idx.msk [tilespmem:v4+s15+$0x0], $0xffff  }
0x3d: {  	v13 =	vld.idx.msk [tilespmem:v7+s14+$0x0], $0xffff;
	v3 =	vadd.f32 v3, v8;
	v5 =	vmul.f32 v6, v5  }
0x3e: {  	v6 =	vld.idx.msk [tilespmem:v7+s15+$0x0], $0xffff;
	v7 =	vor.u32 $0x6, v1  }
0x3f: {  	v20 =	vld.idx.msk [tilespmem:v10+s14+$0x0], $0xffff;
	v2 =	vmul.f32 v2, v9;
	v3 =	vadd.f32 v5, v3  }
0x40: {  	v21 =	vor.u32 $0x7, v1;
	v5 =	vld.idx.msk [tilespmem:v10+s15+$0x0], $0xffff  }
0x41: {  	v22 =	vld.idx.msk [tilespmem:v12+s14+$0x0], $0xffff;
	v2 =	vadd.f32 v2, v3;
	v3 =	vmul.f32 v4, v11  }
0x42: {  	v23 =	vor.u32 $0x8, v1;
	v4 =	vld.idx.msk [tilespmem:v12+s15+$0x0], $0xffff  }
0x43: {  	v24 =	vld.idx.msk [tilespmem:v7+s14+$0x0], $0xffff;
	v2 =	vadd.f32 v3, v2;
	v3 =	vmul.f32 v6, v13  }
0x44: {  	v6 =	vld.idx.msk [tilespmem:v7+s15+$0x0], $0xffff;
	v7 =	vor.u32 $0x9, v1  }
0x45: {  	v25 =	vld.idx.msk [tilespmem:v21+s14+$0x0], $0xffff;
	v2 =	vadd.f32 v3, v2;
	v3 =	vmul.f32 v5, v20  }
0x46: {  	v26 =	vor.u32 $0xA, v1;
	v5 =	vld.idx.msk [tilespmem:v21+s15+$0x0], $0xffff  }
0x47: {  	v27 =	vld.idx.msk [tilespmem:v23+s14+$0x0], $0xffff;
	v2 =	vadd.f32 v3, v2;
	v3 =	vmul.f32 v4, v22  }
0x48: {  	v28 =	vor.u32 $0xB, v1;
	v4 =	vld.idx.msk [tilespmem:v23+s15+$0x0], $0xffff  }
0x49: {  	v29 =	vld.idx.msk [tilespmem:v7+s14+$0x0], $0xffff;
	v2 =	vadd.f32 v3, v2;
	v3 =	vmul.f32 v6, v24  }
0x4a: {  	v6 =	vld.idx.msk [tilespmem:v7+s15+$0x0], $0xffff;
	v7 =	vor.u32 $0xC, v1  }
0x4b: {  	v30 =	vld.idx.msk [tilespmem:v26+s14+$0x0], $0xffff;
	v2 =	vadd.f32 v3, v2;
	v3 =	vmul.f32 v5, v25  }
0x4c: {  	v31 =	vor.u32 $0xD, v1;
	v5 =	vld.idx.msk [tilespmem:v26+s15+$0x0], $0xffff  }
0x4d: {  	v32 =	vld.idx.msk [tilespmem:v28+s14+$0x0], $0xffff;
	v2 =	vadd.f32 v3, v2;
	v3 =	vmul.f32 v4, v27  }
0x4e: {  	v33 =	vor.u32 $0xE, v1;
	v4 =	vld.idx.msk [tilespmem:v28+s15+$0x0], $0xffff  }
0x4f: {  	v34 =	vld.idx.msk [tilespmem:v7+s14+$0x0], $0xffff;
	v2 =	vadd.f32 v3, v2;
	v3 =	vmul.f32 v6, v29  }
0x50: {  	v6 =	vld.idx.msk [tilespmem:v7+s15+$0x0], $0xffff;
	v7 =	vor.u32 $0xF, v1  }
0x51: {  	v35 =	vld.idx.msk [tilespmem:v31+s14+$0x0], $0xffff;
	v2 =	vadd.f32 v3, v2;
	v3 =	vmul.f32 v5, v30  }
0x52: {  	v36 =	vor.u32 $0x10, v1;
	v5 =	vld.idx.msk [tilespmem:v31+s15+$0x0], $0xffff  }
0x53: {  	v37 =	vld.idx.msk [tilespmem:v33+s14+$0x0], $0xffff;
	v2 =	vadd.f32 v3, v2;
	v3 =	vmul.f32 v4, v32  }
0x54: {  	v38 =	vor.u32 $0x11, v1;
	v4 =	vld.idx.msk [tilespmem:v33+s15+$0x0], $0xffff  }
0x55: {  	v39 =	vld.idx.msk [tilespmem:v7+s14+$0x0], $0xffff;
	v2 =	vadd.f32 v3, v2;
	v3 =	vmul.f32 v6, v34  }
0x56: {  	v6 =	vld.idx.msk [tilespmem:v7+s15+$0x0], $0xffff;
	v7 =	vor.u32 $0x12, v1  }
0x57: {  	v40 =	vld.idx.msk [tilespmem:v36+s14+$0x0], $0xffff;
	v2 =	vadd.f32 v3, v2;
	v3 =	vmul.f32 v5, v35  }
0x58: {  	v41 =	vor.u32 $0x13, v1;
	v5 =	vld.idx.msk [tilespmem:v36+s15+$0x0], $0xffff  }
0x59: {  	v42 =	vld.idx.msk [tilespmem:v38+s14+$0x0], $0xffff;
	v2 =	vadd.f32 v3, v2;
	v3 =	vmul.f32 v4, v37  }
0x5a: {  	v43 =	vor.u32 $0x14, v1;
	v4 =	vld.idx.msk [tilespmem:v38+s15+$0x0], $0xffff  }
0x5b: {  	v44 =	vld.idx.msk [tilespmem:v7+s14+$0x0], $0xffff;
	v2 =	vadd.f32 v3, v2;
	v3 =	vmul.f32 v6, v39  }
0x5c: {  	v6 =	vld.idx.msk [tilespmem:v7+s15+$0x0], $0xffff;
	v7 =	vor.u32 $0x15, v1  }
0x5d: {  	v45 =	vld.idx.msk [tilespmem:v41+s14+$0x0], $0xffff;
	v2 =	vadd.f32 v3, v2;
	v3 =	vmul.f32 v5, v40  }
0x5e: {  	v46 =	vor.u32 $0x16, v1;
	v5 =	vld.idx.msk [tilespmem:v41+s15+$0x0], $0xffff  }
0x5f: {  	v47 =	vld.idx.msk [tilespmem:v43+s14+$0x0], $0xffff;
	v2 =	vadd.f32 v3, v2;
	v3 =	vmul.f32 v4, v42  }
0x60: {  	v48 =	vor.u32 $0x17, v1;
	v4 =	vld.idx.msk [tilespmem:v43+s15+$0x0], $0xffff  }
0x61: {  	v49 =	vld.idx.msk [tilespmem:v7+s14+$0x0], $0xffff;
	v2 =	vadd.f32 v3, v2;
	v3 =	vmul.f32 v6, v44  }
0x62: {  	v6 =	vld.idx.msk [tilespmem:v7+s15+$0x0], $0xffff;
	v7 =	vor.u32 $0x18, v1  }
0x63: {  	v50 =	vld.idx.msk [tilespmem:v46+s14+$0x0], $0xffff;
	v2 =	vadd.f32 v3, v2;
	v3 =	vmul.f32 v5, v45  }
0x64: {  	v51 =	vor.u32 $0x19, v1;
	v5 =	vld.idx.msk [tilespmem:v46+s15+$0x0], $0xffff  }
0x65: {  	v52 =	vld.idx.msk [tilespmem:v48+s14+$0x0], $0xffff;
	v2 =	vadd.f32 v3, v2;
	v3 =	vmul.f32 v4, v47  }
0x66: {  	v53 =	vor.u32 $0x1A, v1;
	v4 =	vld.idx.msk [tilespmem:v48+s15+$0x0], $0xffff  }
0x67: {  	v54 =	vld.idx.msk [tilespmem:v7+s14+$0x0], $0xffff;
	v2 =	vadd.f32 v3, v2;
	v3 =	vmul.f32 v6, v49  }
0x68: {  	v6 =	vld.idx.msk [tilespmem:v7+s15+$0x0], $0xffff;
	v7 =	vor.u32 $0x1B, v1  }
0x69: {  	v55 =	vld.idx.msk [tilespmem:v51+s14+$0x0], $0xffff;
	v2 =	vadd.f32 v3, v2;
	v3 =	vmul.f32 v5, v50  }
0x6a: {  	v56 =	vor.u32 $0x1C, v1;
	v5 =	vld.idx.msk [tilespmem:v51+s15+$0x0], $0xffff  }
0x6b: {  	v57 =	vld.idx.msk [tilespmem:v53+s14+$0x0], $0xffff;
	v2 =	vadd.f32 v3, v2;
	v3 =	vmul.f32 v4, v52  }
0x6c: {  	v58 =	vor.u32 $0x1D, v1;
	v4 =	vld.idx.msk [tilespmem:v53+s15+$0x0], $0xffff  }
0x6d: {  	v59 =	vld.idx.msk [tilespmem:v7+s14+$0x0], $0xffff;
	v2 =	vadd.f32 v3, v2;
	v3 =	vmul.f32 v6, v54  }
0x6e: {  	v6 =	vld.idx.msk [tilespmem:v7+s15+$0x0], $0xffff;
	v7 =	vor.u32 $0x1E, v1  }
0x6f: {  	v60 =	vld.idx.msk [tilespmem:v56+s14+$0x0], $0xffff;
	v2 =	vadd.f32 v3, v2;
	v3 =	vmul.f32 v5, v55  }
0x70: {  	v1 =	vor.u32 $0x1F, v1;
	v5 =	vld.idx.msk [tilespmem:v56+s15+$0x0], $0xffff  }
0x71: {  	v61 =	vld.idx.msk [tilespmem:v58+s14+$0x0], $0xffff;
	v2 =	vadd.f32 v3, v2;
	v3 =	vmul.f32 v4, v57  }
0x72: {  	v4 =	vld.idx.msk [tilespmem:v58+s15+$0x0], $0xffff  }
0x73: {  	v62 =	vld.idx.msk [tilespmem:v7+s14+$0x0], $0xffff;
	v2 =	vadd.f32 v3, v2;
	v3 =	vmul.f32 v6, v59  }
0x74: {  	v6 =	vld.idx.msk [tilespmem:v7+s15+$0x0], $0xffff  }
0x75: {  	v7 =	vld.idx.msk [tilespmem:v1+s14+$0x0], $0xffff;
	v2 =	vadd.f32 v3, v2;
	v3 =	vmul.f32 v5, v60  }
0x76: {  	v1 =	vld.idx.msk [tilespmem:v1+s15+$0x0], $0xffff  }
0x77: {  	v2 =	vadd.f32 v3, v2;
	v3 =	vmul.f32 v4, v61;
	_ =	sdelay $0x1  }
0x78: {  	s31 =	simm.s32 $0x10;
	v2 =	vadd.f32 v3, v2;
	v3 =	vmul.f32 v6, v62  }
0x79: {  	v4 =	vmov s31  }
0x7a: {  	v4 =	vshll.u32 v4, $0x5;
	v2 =	vadd.f32 v3, v2;
	v3 =	vmul.f32 v1, v7  }
0x7b: {  	v1 =	vor.u32 v0, v4  }
0x7c: {  	v2 =	vadd.f32 v3, v2;
	_ =	sdelay $0x1  }
0x7d: {  	s22 =	simm.s32 $0x8610;
	v3 =	vor.u32 $0x1, v1;
	[tilespmem:s20+$0x0] =	vst v2  }
0x7e: {  	v2 =	vld [tilespmem:s22+$0x0]  }
0x7f: {  	v4 =	vor.u32 $0x2, v1;
	v5 =	vld.idx.msk [tilespmem:v1+s14+$0x0], $0xffff  }
0x80: {  	s23 =	simm.s32 $0x8410;
	v6 =	vld.idx.msk [tilespmem:v1+s15+$0x0], $0xffff  }
0x81: {  	v7 =	vor.u32 $0x3, v1;
	v63 =	vld [tilespmem:s23+$0x0]  }
0x82: {  	v16 =	vld.idx.msk [tilespmem:v3+s14+$0x0], $0xffff  }
0x83: {  	v17 =	vor.u32 $0x4, v1;
	v3 =	vld.idx.msk [tilespmem:v3+s15+$0x0], $0xffff  }
0x84: {  	v18 =	vld.idx.msk [tilespmem:v4+s14+$0x0], $0xffff  }
0x85: {  	v19 =	vor.u32 $0x5, v1;
	v4 =	vld.idx.msk [tilespmem:v4+s15+$0x0], $0xffff  }
0x86: {  	v20 =	vld.idx.msk [tilespmem:v7+s14+$0x0], $0xffff;
	v2 =	vadd.f32 v2, v63;
	v5 =	vmul.f32 v6, v5  }
0x87: {  	v6 =	vld.idx.msk [tilespmem:v7+s15+$0x0], $0xffff;
	v7 =	vor.u32 $0x6, v1  }
0x88: {  	v21 =	vld.idx.msk [tilespmem:v17+s14+$0x0], $0xffff;
	v2 =	vadd.f32 v5, v2;
	v3 =	vmul.f32 v3, v16  }
0x89: {  	v22 =	vor.u32 $0x7, v1;
	v5 =	vld.idx.msk [tilespmem:v17+s15+$0x0], $0xffff  }
0x8a: {  	v23 =	vld.idx.msk [tilespmem:v19+s14+$0x0], $0xffff;
	v2 =	vadd.f32 v3, v2;
	v3 =	vmul.f32 v4, v18  }
0x8b: {  	v24 =	vor.u32 $0x8, v1;
	v4 =	vld.idx.msk [tilespmem:v19+s15+$0x0], $0xffff  }
0x8c: {  	v25 =	vld.idx.msk [tilespmem:v7+s14+$0x0], $0xffff;
	v2 =	vadd.f32 v3, v2;
	v3 =	vmul.f32 v6, v20  }
0x8d: {  	v6 =	vld.idx.msk [tilespmem:v7+s15+$0x0], $0xffff;
	v7 =	vor.u32 $0x9, v1  }
0x8e: {  	v26 =	vld.idx.msk [tilespmem:v22+s14+$0x0], $0xffff;
	v2 =	vadd.f32 v3, v2;
	v3 =	vmul.f32 v5, v21  }
0x8f: {  	v27 =	vor.u32 $0xA, v1;
	v5 =	vld.idx.msk [tilespmem:v22+s15+$0x0], $0xffff  }
0x90: {  	v28 =	vld.idx.msk [tilespmem:v24+s14+$0x0], $0xffff;
	v2 =	vadd.f32 v3, v2;
	v3 =	vmul.f32 v4, v23  }
0x91: {  	v29 =	vor.u32 $0xB, v1;
	v4 =	vld.idx.msk [tilespmem:v24+s15+$0x0], $0xffff  }
0x92: {  	v30 =	vld.idx.msk [tilespmem:v7+s14+$0x0], $0xffff;
	v2 =	vadd.f32 v3, v2;
	v3 =	vmul.f32 v6, v25  }
0x93: {  	v6 =	vld.idx.msk [tilespmem:v7+s15+$0x0], $0xffff;
	v7 =	vor.u32 $0xC, v1  }
0x94: {  	v31 =	vld.idx.msk [tilespmem:v27+s14+$0x0], $0xffff;
	v2 =	vadd.f32 v3, v2;
	v3 =	vmul.f32 v5, v26  }
0x95: {  	v32 =	vor.u32 $0xD, v1;
	v5 =	vld.idx.msk [tilespmem:v27+s15+$0x0], $0xffff  }
0x96: {  	v33 =	vld.idx.msk [tilespmem:v29+s14+$0x0], $0xffff;
	v2 =	vadd.f32 v3, v2;
	v3 =	vmul.f32 v4, v28  }
0x97: {  	v34 =	vor.u32 $0xE, v1;
	v4 =	vld.idx.msk [tilespmem:v29+s15+$0x0], $0xffff  }
0x98: {  	v35 =	vld.idx.msk [tilespmem:v7+s14+$0x0], $0xffff;
	v2 =	vadd.f32 v3, v2;
	v3 =	vmul.f32 v6, v30  }
0x99: {  	v6 =	vld.idx.msk [tilespmem:v7+s15+$0x0], $0xffff;
	v7 =	vor.u32 $0xF, v1  }
0x9a: {  	v36 =	vld.idx.msk [tilespmem:v32+s14+$0x0], $0xffff;
	v2 =	vadd.f32 v3, v2;
	v3 =	vmul.f32 v5, v31  }
0x9b: {  	v37 =	vor.u32 $0x10, v1;
	v5 =	vld.idx.msk [tilespmem:v32+s15+$0x0], $0xffff  }
0x9c: {  	v38 =	vld.idx.msk [tilespmem:v34+s14+$0x0], $0xffff;
	v2 =	vadd.f32 v3, v2;
	v3 =	vmul.f32 v4, v33  }
0x9d: {  	v39 =	vor.u32 $0x11, v1;
	v4 =	vld.idx.msk [tilespmem:v34+s15+$0x0], $0xffff  }
0x9e: {  	v40 =	vld.idx.msk [tilespmem:v7+s14+$0x0], $0xffff;
	v2 =	vadd.f32 v3, v2;
	v3 =	vmul.f32 v6, v35  }
0x9f: {  	v6 =	vld.idx.msk [tilespmem:v7+s15+$0x0], $0xffff;
	v7 =	vor.u32 $0x12, v1  }
0xa0: {  	v41 =	vld.idx.msk [tilespmem:v37+s14+$0x0], $0xffff;
	v2 =	vadd.f32 v3, v2;
	v3 =	vmul.f32 v5, v36  }
0xa1: {  	v42 =	vor.u32 $0x13, v1;
	v5 =	vld.idx.msk [tilespmem:v37+s15+$0x0], $0xffff  }
0xa2: {  	v43 =	vld.idx.msk [tilespmem:v39+s14+$0x0], $0xffff;
	v2 =	vadd.f32 v3, v2;
	v3 =	vmul.f32 v4, v38  }
0xa3: {  	v44 =	vor.u32 $0x14, v1;
	v4 =	vld.idx.msk [tilespmem:v39+s15+$0x0], $0xffff  }
0xa4: {  	v45 =	vld.idx.msk [tilespmem:v7+s14+$0x0], $0xffff;
	v2 =	vadd.f32 v3, v2;
	v3 =	vmul.f32 v6, v40  }
0xa5: {  	v6 =	vld.idx.msk [tilespmem:v7+s15+$0x0], $0xffff;
	v7 =	vor.u32 $0x15, v1  }
0xa6: {  	v46 =	vld.idx.msk [tilespmem:v42+s14+$0x0], $0xffff;
	v2 =	vadd.f32 v3, v2;
	v3 =	vmul.f32 v5, v41  }
0xa7: {  	v47 =	vor.u32 $0x16, v1;
	v5 =	vld.idx.msk [tilespmem:v42+s15+$0x0], $0xffff  }
0xa8: {  	v48 =	vld.idx.msk [tilespmem:v44+s14+$0x0], $0xffff;
	v2 =	vadd.f32 v3, v2;
	v3 =	vmul.f32 v4, v43  }
0xa9: {  	v49 =	vor.u32 $0x17, v1;
	v4 =	vld.idx.msk [tilespmem:v44+s15+$0x0], $0xffff  }
0xaa: {  	v50 =	vld.idx.msk [tilespmem:v7+s14+$0x0], $0xffff;
	v2 =	vadd.f32 v3, v2;
	v3 =	vmul.f32 v6, v45  }
0xab: {  	v6 =	vld.idx.msk [tilespmem:v7+s15+$0x0], $0xffff;
	v7 =	vor.u32 $0x18, v1  }
0xac: {  	v51 =	vld.idx.msk [tilespmem:v47+s14+$0x0], $0xffff;
	v2 =	vadd.f32 v3, v2;
	v3 =	vmul.f32 v5, v46  }
0xad: {  	v52 =	vor.u32 $0x19, v1;
	v5 =	vld.idx.msk [tilespmem:v47+s15+$0x0], $0xffff  }
0xae: {  	v53 =	vld.idx.msk [tilespmem:v49+s14+$0x0], $0xffff;
	v2 =	vadd.f32 v3, v2;
	v3 =	vmul.f32 v4, v48  }
0xaf: {  	v54 =	vor.u32 $0x1A, v1;
	v4 =	vld.idx.msk [tilespmem:v49+s15+$0x0], $0xffff  }
0xb0: {  	v55 =	vld.idx.msk [tilespmem:v7+s14+$0x0], $0xffff;
	v2 =	vadd.f32 v3, v2;
	v3 =	vmul.f32 v6, v50  }
0xb1: {  	v6 =	vld.idx.msk [tilespmem:v7+s15+$0x0], $0xffff;
	v7 =	vor.u32 $0x1B, v1  }
0xb2: {  	v56 =	vld.idx.msk [tilespmem:v52+s14+$0x0], $0xffff;
	v2 =	vadd.f32 v3, v2;
	v3 =	vmul.f32 v5, v51  }
0xb3: {  	v57 =	vor.u32 $0x1C, v1;
	v5 =	vld.idx.msk [tilespmem:v52+s15+$0x0], $0xffff  }
0xb4: {  	v58 =	vld.idx.msk [tilespmem:v54+s14+$0x0], $0xffff;
	v2 =	vadd.f32 v3, v2;
	v3 =	vmul.f32 v4, v53  }
0xb5: {  	v59 =	vor.u32 $0x1D, v1;
	v4 =	vld.idx.msk [tilespmem:v54+s15+$0x0], $0xffff  }
0xb6: {  	v60 =	vld.idx.msk [tilespmem:v7+s14+$0x0], $0xffff;
	v2 =	vadd.f32 v3, v2;
	v3 =	vmul.f32 v6, v55  }
0xb7: {  	v6 =	vld.idx.msk [tilespmem:v7+s15+$0x0], $0xffff;
	v7 =	vor.u32 $0x1E, v1  }
0xb8: {  	v61 =	vld.idx.msk [tilespmem:v57+s14+$0x0], $0xffff;
	v2 =	vadd.f32 v3, v2;
	v3 =	vmul.f32 v5, v56  }
0xb9: {  	v1 =	vor.u32 $0x1F, v1;
	v5 =	vld.idx.msk [tilespmem:v57+s15+$0x0], $0xffff  }
0xba: {  	v62 =	vld.idx.msk [tilespmem:v59+s14+$0x0], $0xffff;
	v2 =	vadd.f32 v3, v2;
	v3 =	vmul.f32 v4, v58  }
0xbb: {  	v4 =	vld.idx.msk [tilespmem:v59+s15+$0x0], $0xffff  }
0xbc: {  	v63 =	vld.idx.msk [tilespmem:v7+s14+$0x0], $0xffff;
	v2 =	vadd.f32 v3, v2;
	v3 =	vmul.f32 v6, v60  }
0xbd: {  	v6 =	vld.idx.msk [tilespmem:v7+s15+$0x0], $0xffff  }
0xbe: {  	v7 =	vld.idx.msk [tilespmem:v1+s14+$0x0], $0xffff;
	v2 =	vadd.f32 v3, v2;
	v3 =	vmul.f32 v5, v61  }
0xbf: {  	v5 =	vld.idx.msk [tilespmem:v1+s15+$0x0], $0xffff  }
0xc0: {  	s24 =	simm.s32 $0x20;
	v1 =	vadd.f32 v3, v2;
	v2 =	vmul.f32 v4, v62  }
0xc1: {  	v3 =	vmov s24  }
0xc2: {  	v3 =	vshll.u32 v3, $0x5;
	v6 =	vmul.f32 v6, v63;
	v4 =	vadd.f32 v2, v1  }
0xc3: {  	v1 =	vor.u32 v0, v3  }
0xc4: {  	v2 =	vor.u32 $0x1, v1;
	v3 =	vadd.f32 v6, v4;
	v4 =	vmul.f32 v5, v7  }
0xc5: {  	s25 =	simm.s32 $0x30;
	s24 =	simm.s32 $0x8800  }
.LBB2_2:
0xc6: {  	p1 =	sne.s32 s25, $0x1F0;
	v3 =	vadd.f32 v4, v3  }
0xc7: {  	s24 =	sadd.s32 $0x10, s24  }
0xc8: {  	[tilespmem:s24+$0x0] =	vst v3  }
0xc9: {  	s22 =	sadd.s32 $0x10, s22;
	v3 =	vld.idx.msk [tilespmem:v2+s14+$0x0], $0xffff  }
0xca: {  	v5 =	vor.u32 $0x2, v1;
	v4 =	vld [tilespmem:s22+$0x0]  }
0xcb: {  	v6 =	vld.idx.msk [tilespmem:v1+s14+$0x0], $0xffff  }
0xcc: {  	v8 =	vor.u32 $0x3, v1;
	s23 =	sadd.s32 $0x10, s23;
	v7 =	vld.idx.msk [tilespmem:v1+s15+$0x0], $0xffff  }
0xcd: {  	v9 =	vld [tilespmem:s23+$0x0]  }
0xce: {  	v10 =	vor.u32 $0x4, v1;
	v2 =	vld.idx.msk [tilespmem:v2+s15+$0x0], $0xffff  }
0xcf: {  	v11 =	vld.idx.msk [tilespmem:v5+s14+$0x0], $0xffff  }
0xd0: {  	v12 =	vor.u32 $0x5, v1;
	v5 =	vld.idx.msk [tilespmem:v5+s15+$0x0], $0xffff  }
0xd1: {  	v13 =	vld.idx.msk [tilespmem:v8+s14+$0x0], $0xffff  }
0xd2: {  	v6 =	vmul.f32 v7, v6;
	v4 =	vadd.f32 v4, v9;
	v7 =	vld.idx.msk [tilespmem:v8+s15+$0x0], $0xffff;
	v8 =	vor.u32 $0x6, v1  }
0xd3: {  	v9 =	vld.idx.msk [tilespmem:v10+s14+$0x0], $0xffff  }
0xd4: {  	v2 =	vmul.f32 v2, v3;
	v4 =	vadd.f32 v6, v4;
	v3 =	vld.idx.msk [tilespmem:v10+s15+$0x0], $0xffff;
	v6 =	vor.u32 $0x7, v1  }
0xd5: {  	v10 =	vld.idx.msk [tilespmem:v12+s14+$0x0], $0xffff  }
0xd6: {  	v2 =	vadd.f32 v2, v4;
	v4 =	vmul.f32 v5, v11;
	v5 =	vld.idx.msk [tilespmem:v12+s15+$0x0], $0xffff;
	v11 =	vor.u32 $0x8, v1  }
0xd7: {  	v12 =	vld.idx.msk [tilespmem:v8+s14+$0x0], $0xffff  }
0xd8: {  	v2 =	vadd.f32 v4, v2;
	v4 =	vmul.f32 v7, v13;
	v7 =	vld.idx.msk [tilespmem:v8+s15+$0x0], $0xffff;
	v8 =	vor.u32 $0x9, v1  }
0xd9: {  	v13 =	vld.idx.msk [tilespmem:v6+s14+$0x0], $0xffff  }
0xda: {  	v3 =	vmul.f32 v3, v9;
	v2 =	vadd.f32 v4, v2;
	v4 =	vld.idx.msk [tilespmem:v6+s15+$0x0], $0xffff;
	v6 =	vor.u32 $0xA, v1  }
0xdb: {  	v9 =	vld.idx.msk [tilespmem:v11+s14+$0x0], $0xffff  }
0xdc: {  	v2 =	vadd.f32 v3, v2;
	v3 =	vmul.f32 v5, v10;
	v5 =	vld.idx.msk [tilespmem:v11+s15+$0x0], $0xffff;
	v10 =	vor.u32 $0xB, v1  }
0xdd: {  	v11 =	vld.idx.msk [tilespmem:v8+s14+$0x0], $0xffff  }
0xde: {  	v2 =	vadd.f32 v3, v2;
	v3 =	vmul.f32 v7, v12;
	v7 =	vld.idx.msk [tilespmem:v8+s15+$0x0], $0xffff;
	v8 =	vor.u32 $0xC, v1  }
0xdf: {  	v12 =	vld.idx.msk [tilespmem:v6+s14+$0x0], $0xffff  }
0xe0: {  	v2 =	vadd.f32 v3, v2;
	v3 =	vmul.f32 v4, v13;
	v4 =	vld.idx.msk [tilespmem:v6+s15+$0x0], $0xffff;
	v6 =	vor.u32 $0xD, v1  }
0xe1: {  	v13 =	vld.idx.msk [tilespmem:v10+s14+$0x0], $0xffff  }
0xe2: {  	v2 =	vadd.f32 v3, v2;
	v3 =	vmul.f32 v5, v9;
	v5 =	vld.idx.msk [tilespmem:v10+s15+$0x0], $0xffff;
	v9 =	vor.u32 $0xE, v1  }
0xe3: {  	v10 =	vld.idx.msk [tilespmem:v8+s14+$0x0], $0xffff  }
0xe4: {  	v2 =	vadd.f32 v3, v2;
	v3 =	vmul.f32 v7, v11;
	v7 =	vld.idx.msk [tilespmem:v8+s15+$0x0], $0xffff;
	v8 =	vor.u32 $0xF, v1  }
0xe5: {  	v11 =	vld.idx.msk [tilespmem:v6+s14+$0x0], $0xffff  }
0xe6: {  	v2 =	vadd.f32 v3, v2;
	v3 =	vmul.f32 v4, v12;
	v4 =	vld.idx.msk [tilespmem:v6+s15+$0x0], $0xffff;
	v6 =	vor.u32 $0x10, v1  }
0xe7: {  	v12 =	vld.idx.msk [tilespmem:v9+s14+$0x0], $0xffff  }
0xe8: {  	v2 =	vadd.f32 v3, v2;
	v3 =	vmul.f32 v5, v13;
	v5 =	vld.idx.msk [tilespmem:v9+s15+$0x0], $0xffff;
	v9 =	vor.u32 $0x11, v1  }
0xe9: {  	v13 =	vld.idx.msk [tilespmem:v8+s14+$0x0], $0xffff  }
0xea: {  	v2 =	vadd.f32 v3, v2;
	v3 =	vmul.f32 v7, v10;
	v7 =	vld.idx.msk [tilespmem:v8+s15+$0x0], $0xffff;
	v8 =	vor.u32 $0x12, v1  }
0xeb: {  	v10 =	vld.idx.msk [tilespmem:v6+s14+$0x0], $0xffff  }
0xec: {  	v2 =	vadd.f32 v3, v2;
	v3 =	vmul.f32 v4, v11;
	v4 =	vld.idx.msk [tilespmem:v6+s15+$0x0], $0xffff;
	v6 =	vor.u32 $0x13, v1  }
0xed: {  	v11 =	vld.idx.msk [tilespmem:v9+s14+$0x0], $0xffff  }
0xee: {  	v2 =	vadd.f32 v3, v2;
	v3 =	vmul.f32 v5, v12;
	v5 =	vld.idx.msk [tilespmem:v9+s15+$0x0], $0xffff;
	v9 =	vor.u32 $0x14, v1  }
0xef: {  	v12 =	vld.idx.msk [tilespmem:v8+s14+$0x0], $0xffff  }
0xf0: {  	v2 =	vadd.f32 v3, v2;
	v3 =	vmul.f32 v7, v13;
	v7 =	vld.idx.msk [tilespmem:v8+s15+$0x0], $0xffff;
	v8 =	vor.u32 $0x15, v1  }
0xf1: {  	v13 =	vld.idx.msk [tilespmem:v6+s14+$0x0], $0xffff  }
0xf2: {  	v2 =	vadd.f32 v3, v2;
	v3 =	vmul.f32 v4, v10;
	v4 =	vld.idx.msk [tilespmem:v6+s15+$0x0], $0xffff;
	v6 =	vor.u32 $0x16, v1  }
0xf3: {  	v10 =	vld.idx.msk [tilespmem:v9+s14+$0x0], $0xffff  }
0xf4: {  	v2 =	vadd.f32 v3, v2;
	v3 =	vmul.f32 v5, v11;
	v5 =	vld.idx.msk [tilespmem:v9+s15+$0x0], $0xffff;
	v9 =	vor.u32 $0x17, v1  }
0xf5: {  	v11 =	vld.idx.msk [tilespmem:v8+s14+$0x0], $0xffff  }
0xf6: {  	v2 =	vadd.f32 v3, v2;
	v3 =	vmul.f32 v7, v12;
	v7 =	vld.idx.msk [tilespmem:v8+s15+$0x0], $0xffff;
	v8 =	vor.u32 $0x18, v1  }
0xf7: {  	v12 =	vld.idx.msk [tilespmem:v6+s14+$0x0], $0xffff  }
0xf8: {  	v2 =	vadd.f32 v3, v2;
	v3 =	vmul.f32 v4, v13;
	v4 =	vld.idx.msk [tilespmem:v6+s15+$0x0], $0xffff;
	v6 =	vor.u32 $0x19, v1  }
0xf9: {  	v13 =	vld.idx.msk [tilespmem:v9+s14+$0x0], $0xffff  }
0xfa: {  	v2 =	vadd.f32 v3, v2;
	v3 =	vmul.f32 v5, v10;
	v5 =	vld.idx.msk [tilespmem:v9+s15+$0x0], $0xffff;
	v9 =	vor.u32 $0x1A, v1  }
0xfb: {  	v10 =	vld.idx.msk [tilespmem:v8+s14+$0x0], $0xffff  }
0xfc: {  	v2 =	vadd.f32 v3, v2;
	v3 =	vmul.f32 v7, v11;
	v7 =	vld.idx.msk [tilespmem:v8+s15+$0x0], $0xffff;
	v8 =	vor.u32 $0x1B, v1  }
0xfd: {  	v11 =	vld.idx.msk [tilespmem:v6+s14+$0x0], $0xffff  }
0xfe: {  	v2 =	vadd.f32 v3, v2;
	v3 =	vmul.f32 v4, v12;
	v4 =	vld.idx.msk [tilespmem:v6+s15+$0x0], $0xffff;
	v6 =	vor.u32 $0x1C, v1  }
0xff: {  	v12 =	vld.idx.msk [tilespmem:v9+s14+$0x0], $0xffff  }
0x100: {  	v2 =	vadd.f32 v3, v2;
	v3 =	vmul.f32 v5, v13;
	v5 =	vld.idx.msk [tilespmem:v9+s15+$0x0], $0xffff;
	v9 =	vor.u32 $0x1D, v1  }
0x101: {  	v13 =	vld.idx.msk [tilespmem:v8+s14+$0x0], $0xffff  }
0x102: {  	v2 =	vadd.f32 v3, v2;
	v3 =	vmul.f32 v7, v10;
	v7 =	vld.idx.msk [tilespmem:v8+s15+$0x0], $0xffff;
	v8 =	vor.u32 $0x1E, v1  }
0x103: {  	v10 =	vld.idx.msk [tilespmem:v6+s14+$0x0], $0xffff  }
0x104: {  	v1 =	vor.u32 $0x1F, v1;
	v2 =	vadd.f32 v3, v2;
	v3 =	vmul.f32 v4, v11;
	v4 =	vld.idx.msk [tilespmem:v6+s15+$0x0], $0xffff  }
0x105: {  	v6 =	vld.idx.msk [tilespmem:v9+s14+$0x0], $0xffff  }
0x106: {  	v2 =	vadd.f32 v3, v2;
	v3 =	vmul.f32 v5, v12;
	v5 =	vld.idx.msk [tilespmem:v9+s15+$0x0], $0xffff  }
0x107: {  	v9 =	vld.idx.msk [tilespmem:v8+s14+$0x0], $0xffff  }
0x108: {  	v2 =	vadd.f32 v3, v2;
	v3 =	vmul.f32 v7, v13;
	v7 =	vld.idx.msk [tilespmem:v8+s15+$0x0], $0xffff  }
0x109: {  	v8 =	vld.idx.msk [tilespmem:v1+s14+$0x0], $0xffff  }
0x10a: {  	v2 =	vadd.f32 v3, v2;
	v3 =	vmul.f32 v4, v10;
	v4 =	vld.idx.msk [tilespmem:v1+s15+$0x0], $0xffff;
	_ =	sdelay $0x1  }
0x10b: {  	v1 =	vadd.f32 v3, v2;
	v2 =	vmul.f32 v5, v6  }
.Ltmp0:
0x10c: {  	v3 =	vmov s25;
	(pc) =	sbr.rel @p1 .LBB2_2-.Ltmp0, $4  }
0x10d: {  	v3 =	vshll.u32 v3, $0x5;
	v6 =	vmul.f32 v7, v9;
	v5 =	vadd.f32 v2, v1  }
0x10e: {  	v1 =	vor.u32 v0, v3  }
0x10f: {  	v2 =	vor.u32 $0x1, v1;
	v4 =	vmul.f32 v4, v8;
	v3 =	vadd.f32 v6, v5  }
0x110: {  	s25 =	sadd.s32 $0x10, s25  }
0x111: {  	v3 =	vadd.f32 v4, v3  }
0x112: {  	s24 =	sadd.s32 $0x10, s24  }
0x113: {  	s22 =	sadd.s32 $0x10, s22;
	[tilespmem:s24+$0x0] =	vst v3  }
0x114: {  	v3 =	vld [tilespmem:s22+$0x0]  }
0x115: {  	v30 =	vor.u32 $0x2, v1;
	v5 =	vld.idx.msk [tilespmem:v1+s14+$0x0], $0xffff  }
0x116: {  	s30 =	sadd.s32 $0x10, s23;
	v6 =	vld.idx.msk [tilespmem:v1+s15+$0x0], $0xffff  }
0x117: {  	v7 =	vor.u32 $0x3, v1;
	v8 =	vld [tilespmem:s30+$0x0]  }
0x118: {  	v9 =	vld.idx.msk [tilespmem:v2+s14+$0x0], $0xffff  }
0x119: {  	v10 =	vor.u32 $0x4, v1;
	v2 =	vld.idx.msk [tilespmem:v2+s15+$0x0], $0xffff  }
0x11a: {  	v11 =	vld.idx.msk [tilespmem:v30+s14+$0x0], $0xffff  }
0x11b: {  	v12 =	vor.u32 $0x5, v1;
	v4 =	vld.idx.msk [tilespmem:v30+s15+$0x0], $0xffff  }
0x11c: {  	v13 =	vld.idx.msk [tilespmem:v7+s14+$0x0], $0xffff;
	v3 =	vadd.f32 v3, v8;
	v5 =	vmul.f32 v6, v5  }
0x11d: {  	v32 =	vor.u32 $0x6, v1;
	v31 =	vld.idx.msk [tilespmem:v7+s15+$0x0], $0xffff  }
0x11e: {  	v33 =	vld.idx.msk [tilespmem:v10+s14+$0x0], $0xffff;
	v2 =	vmul.f32 v2, v9;
	v3 =	vadd.f32 v5, v3  }
0x11f: {  	v35 =	vor.u32 $0x7, v1;
	v34 =	vld.idx.msk [tilespmem:v10+s15+$0x0], $0xffff  }
0x120: {  	v36 =	vld.idx.msk [tilespmem:v12+s14+$0x0], $0xffff;
	v2 =	vadd.f32 v2, v3;
	v3 =	vmul.f32 v4, v11  }
0x121: {  	v38 =	vor.u32 $0x8, v1;
	v37 =	vld.idx.msk [tilespmem:v12+s15+$0x0], $0xffff  }
0x122: {  	v39 =	vld.idx.msk [tilespmem:v32+s14+$0x0], $0xffff;
	v2 =	vadd.f32 v3, v2;
	v3 =	vmul.f32 v31, v13  }
0x123: {  	v41 =	vor.u32 $0x9, v1;
	v40 =	vld.idx.msk [tilespmem:v32+s15+$0x0], $0xffff  }
0x124: {  	v42 =	vld.idx.msk [tilespmem:v35+s14+$0x0], $0xffff;
	v2 =	vadd.f32 v3, v2;
	v3 =	vmul.f32 v34, v33  }
0x125: {  	v44 =	vor.u32 $0xA, v1;
	v43 =	vld.idx.msk [tilespmem:v35+s15+$0x0], $0xffff  }
0x126: {  	v45 =	vld.idx.msk [tilespmem:v38+s14+$0x0], $0xffff;
	v2 =	vadd.f32 v3, v2;
	v3 =	vmul.f32 v37, v36  }
0x127: {  	v47 =	vor.u32 $0xB, v1;
	v46 =	vld.idx.msk [tilespmem:v38+s15+$0x0], $0xffff  }
0x128: {  	v48 =	vld.idx.msk [tilespmem:v41+s14+$0x0], $0xffff;
	v2 =	vadd.f32 v3, v2;
	v3 =	vmul.f32 v40, v39  }
0x129: {  	v50 =	vor.u32 $0xC, v1;
	v49 =	vld.idx.msk [tilespmem:v41+s15+$0x0], $0xffff  }
0x12a: {  	v51 =	vld.idx.msk [tilespmem:v44+s14+$0x0], $0xffff;
	v2 =	vadd.f32 v3, v2;
	v3 =	vmul.f32 v43, v42  }
0x12b: {  	v53 =	vor.u32 $0xD, v1;
	v52 =	vld.idx.msk [tilespmem:v44+s15+$0x0], $0xffff  }
0x12c: {  	v54 =	vld.idx.msk [tilespmem:v47+s14+$0x0], $0xffff;
	v2 =	vadd.f32 v3, v2;
	v3 =	vmul.f32 v46, v45  }
0x12d: {  	v56 =	vor.u32 $0xE, v1;
	v55 =	vld.idx.msk [tilespmem:v47+s15+$0x0], $0xffff  }
0x12e: {  	v57 =	vld.idx.msk [tilespmem:v50+s14+$0x0], $0xffff;
	v2 =	vadd.f32 v3, v2;
	v3 =	vmul.f32 v49, v48  }
0x12f: {  	v59 =	vor.u32 $0xF, v1;
	v58 =	vld.idx.msk [tilespmem:v50+s15+$0x0], $0xffff  }
0x130: {  	v60 =	vld.idx.msk [tilespmem:v53+s14+$0x0], $0xffff;
	v2 =	vadd.f32 v3, v2;
	v3 =	vmul.f32 v52, v51  }
0x131: {  	v62 =	vor.u32 $0x10, v1;
	v61 =	vld.idx.msk [tilespmem:v53+s15+$0x0], $0xffff  }
0x132: {  	v63 =	vld.idx.msk [tilespmem:v56+s14+$0x0], $0xffff;
	v2 =	vadd.f32 v3, v2;
	v3 =	vmul.f32 v55, v54  }
0x133: {  	v17 =	vor.u32 $0x11, v1;
	v16 =	vld.idx.msk [tilespmem:v56+s15+$0x0], $0xffff  }
0x134: {  	v18 =	vld.idx.msk [tilespmem:v59+s14+$0x0], $0xffff;
	v2 =	vadd.f32 v3, v2;
	v3 =	vmul.f32 v58, v57  }
0x135: {  	v20 =	vor.u32 $0x12, v1;
	v19 =	vld.idx.msk [tilespmem:v59+s15+$0x0], $0xffff  }
0x136: {  	v21 =	vld.idx.msk [tilespmem:v62+s14+$0x0], $0xffff;
	v2 =	vadd.f32 v3, v2;
	v3 =	vmul.f32 v61, v60  }
0x137: {  	v23 =	vor.u32 $0x13, v1;
	v22 =	vld.idx.msk [tilespmem:v62+s15+$0x0], $0xffff  }
0x138: {  	v24 =	vld.idx.msk [tilespmem:v17+s14+$0x0], $0xffff;
	v2 =	vadd.f32 v3, v2;
	v3 =	vmul.f32 v16, v63  }
0x139: {  	v26 =	vor.u32 $0x14, v1;
	v25 =	vld.idx.msk [tilespmem:v17+s15+$0x0], $0xffff  }
0x13a: {  	v27 =	vld.idx.msk [tilespmem:v20+s14+$0x0], $0xffff;
	v2 =	vadd.f32 v3, v2;
	v3 =	vmul.f32 v19, v18  }
0x13b: {  	v29 =	vor.u32 $0x15, v1;
	v28 =	vld.idx.msk [tilespmem:v20+s15+$0x0], $0xffff  }
0x13c: {  	v30 =	vld.idx.msk [tilespmem:v23+s14+$0x0], $0xffff;
	v2 =	vadd.f32 v3, v2;
	v3 =	vmul.f32 v22, v21  }
0x13d: {  	v32 =	vor.u32 $0x16, v1;
	v31 =	vld.idx.msk [tilespmem:v23+s15+$0x0], $0xffff  }
0x13e: {  	v33 =	vld.idx.msk [tilespmem:v26+s14+$0x0], $0xffff;
	v2 =	vadd.f32 v3, v2;
	v3 =	vmul.f32 v25, v24  }
0x13f: {  	v35 =	vor.u32 $0x17, v1;
	v34 =	vld.idx.msk [tilespmem:v26+s15+$0x0], $0xffff  }
0x140: {  	v36 =	vld.idx.msk [tilespmem:v29+s14+$0x0], $0xffff;
	v2 =	vadd.f32 v3, v2;
	v3 =	vmul.f32 v28, v27  }
0x141: {  	v38 =	vor.u32 $0x18, v1;
	v37 =	vld.idx.msk [tilespmem:v29+s15+$0x0], $0xffff  }
0x142: {  	v39 =	vld.idx.msk [tilespmem:v32+s14+$0x0], $0xffff;
	v2 =	vadd.f32 v3, v2;
	v3 =	vmul.f32 v31, v30  }
0x143: {  	v41 =	vor.u32 $0x19, v1;
	v40 =	vld.idx.msk [tilespmem:v32+s15+$0x0], $0xffff  }
0x144: {  	v42 =	vld.idx.msk [tilespmem:v35+s14+$0x0], $0xffff;
	v2 =	vadd.f32 v3, v2;
	v3 =	vmul.f32 v34, v33  }
0x145: {  	v44 =	vor.u32 $0x1A, v1;
	v43 =	vld.idx.msk [tilespmem:v35+s15+$0x0], $0xffff  }
0x146: {  	v45 =	vld.idx.msk [tilespmem:v38+s14+$0x0], $0xffff;
	v2 =	vadd.f32 v3, v2;
	v3 =	vmul.f32 v37, v36  }
0x147: {  	v47 =	vor.u32 $0x1B, v1;
	v46 =	vld.idx.msk [tilespmem:v38+s15+$0x0], $0xffff  }
0x148: {  	v48 =	vld.idx.msk [tilespmem:v41+s14+$0x0], $0xffff;
	v2 =	vadd.f32 v3, v2;
	v3 =	vmul.f32 v40, v39  }
0x149: {  	v50 =	vor.u32 $0x1C, v1;
	v49 =	vld.idx.msk [tilespmem:v41+s15+$0x0], $0xffff  }
0x14a: {  	v51 =	vld.idx.msk [tilespmem:v44+s14+$0x0], $0xffff;
	v2 =	vadd.f32 v3, v2;
	v3 =	vmul.f32 v43, v42  }
0x14b: {  	v53 =	vor.u32 $0x1D, v1;
	v52 =	vld.idx.msk [tilespmem:v44+s15+$0x0], $0xffff  }
0x14c: {  	v54 =	vld.idx.msk [tilespmem:v47+s14+$0x0], $0xffff;
	v2 =	vadd.f32 v3, v2;
	v3 =	vmul.f32 v46, v45  }
0x14d: {  	v56 =	vor.u32 $0x1E, v1;
	v55 =	vld.idx.msk [tilespmem:v47+s15+$0x0], $0xffff  }
0x14e: {  	v57 =	vld.idx.msk [tilespmem:v50+s14+$0x0], $0xffff;
	v2 =	vadd.f32 v3, v2;
	v3 =	vmul.f32 v49, v48  }
0x14f: {  	v1 =	vor.u32 $0x1F, v1;
	v58 =	vld.idx.msk [tilespmem:v50+s15+$0x0], $0xffff  }
0x150: {  	v59 =	vld.idx.msk [tilespmem:v53+s14+$0x0], $0xffff;
	v2 =	vadd.f32 v3, v2;
	v3 =	vmul.f32 v52, v51  }
0x151: {  	v60 =	vld.idx.msk [tilespmem:v53+s15+$0x0], $0xffff  }
0x152: {  	v62 =	vld.idx.msk [tilespmem:v56+s15+$0x0], $0xffff;
	v2 =	vadd.f32 v3, v2;
	v3 =	vmul.f32 v55, v54  }
0x153: {  	v61 =	vld.idx.msk [tilespmem:v56+s14+$0x0], $0xffff  }
0x154: {  	v63 =	vld.idx.msk [tilespmem:v1+s14+$0x0], $0xffff;
	v2 =	vadd.f32 v3, v2;
	v3 =	vmul.f32 v58, v57  }
0x155: {  	v1 =	vld.idx.msk [tilespmem:v1+s15+$0x0], $0xffff  }
0x156: {  	v2 =	vadd.f32 v3, v2;
	v3 =	vmul.f32 v60, v59;
	_ =	sdelay $0x1  }
0x157: {  	v2 =	vadd.f32 v3, v2;
	v3 =	vmul.f32 v62, v61;
	_ =	sdelay $0x1  }
0x158: {  	v1 =	vmul.f32 v1, v63;
	v2 =	vadd.f32 v3, v2;
	_ =	sdelay $0x1  }
0x159: {  	s21 =	sadd.s32 $0x1, s21;
	v1 =	vadd.f32 v1, v2  }
0x15a: {  	s31 =	sadd.s32 $0x10, s24;
	p1 =	sne.s32 s21, s11  }
.Ltmp1:
0x15b: {  	[tilespmem:s31+$0x0] =	vst v1;
	(pc) =	sbr.rel @p1 .LBB2_1-.Ltmp1, $4  }
0x15c: {  	[hbm4b:s10+s4] =	stream.linear.scatter [tilespmem:s20], [sflag:$0x3], $0x200, $0x38;
	[tilespmem:$0x19698] =	vst v63  }
0x15d: {  	_ =	swait.ge [sflag:s12], $0x200  }
0x15e: {  	[sflag:s12] =	ssyncset.done $0x0  }
0x15f: {  	[sflag:s12] =	ssyncadd.s32 $0xFFFFFE00  }
0x160: {  	_ =	sfence.sel $0x180000  }
0x161: {  	[bflag:$0x0] =	sbarrier.arrive $0xFFFF  }
0x162: {  	_ =	strace $0x90000047  }
0x163: {  	s0 =	sadd.s32 @!p0 $0x100000, s0;
	[bflag:$0x2] =	sbarrier.arrive $0xFFFF  }
0x164: {  	[sflag:s0] =	ssyncadd.tile.s32 @!p0 $0x1;
	_ =	shalt  }
.Lfunc_end2:
_tile_overlayer_lowered:
.L_overlay_start_2:
0x165: {  	(tag) =	ssettag $0x2  }
0x166: {  	s0 =	rddreg [dreg:$0x0];
	s2 =	stileid.u32  }
0x167: {  	s1 =	rddreg [dreg:$0x1];
	p0 =	sne.s32 s2, $0x0  }
0x168: {  	s3 =	rddreg [dreg:$0x2];
	[bflag:$0x3] =	sbarrier.arrive $0xFFFF;
	s2 =	simm.s32 @!p0 $0x1C03  }
0x169: {  	[timem:s3], [sflag:s2] =	dma.local @!p0 [hbm:s0], s1  }
0x16a: {  	s0 =	simm.s32 @!p0 $0x3  }
0x16b: {  	_ =	swait.ge @!p0 [sflag:s0], s1  }
0x16c: {  	s1 =	ssub.s32 @!p0 $0x0, s1;
	[sflag:s0] =	ssyncset.done @!p0 $0x0  }
0x16d: {  	[sflag:s0] =	ssyncadd.s32 @!p0 s1  }
0x16e: {  	[bflag:$0x3] =	sbarrier.arrive $0xFFFF  }
0x16f: {  	_ =	shalt  }

</sc_bundles>
